<compile_context>
chip_gen: v7x
topology: tpu7x:2x2x1
jax: 0.10.2.dev20260603
libtpu: 0.0.44.dev20260713+nightly
codegen_flags: <defaults>
</compile_context>

<pallas_src>
import jax
import jax.numpy as jnp
from jax import lax
from jax.experimental import pallas as pl
from jax.experimental.pallas import tpu as pltpu
from jax.experimental.pallas import tpu_sc as plsc

N_NODES = 10000
D = 128
N_EDGES = 320000

NC = 2
NS = 16
NW = NC * NS
EPW = N_EDGES // NW
CHUNK = 80
NCHUNKS = EPW // CHUNK
LANES = 16
GROUPS = CHUNK // LANES
NBUF = 4


def _body(x_req_hbm, x_code_hbm, src_hbm, dst_hbm, out_hbm,
          src_v, dst_v,
          req0, req1, req2, req3, code0, code1, code2, code3,
          out_v, sem0, sem1, sem2, sem3):
    reqs = (req0, req1, req2, req3)
    codes = (code0, code1, code2, code3)
    sems = (sem0, sem1, sem2, sem3)

    wid = lax.axis_index("s") * NC + lax.axis_index("c")
    wbase = wid * EPW

    pltpu.sync_copy(src_hbm.at[pl.ds(wbase, EPW)], src_v)
    pltpu.sync_copy(dst_hbm.at[pl.ds(wbase, EPW)], dst_v)

    def fire(c, b):
        off = c * CHUNK
        pltpu.async_copy(x_req_hbm.at[src_v.at[pl.ds(off, CHUNK)]],
                         reqs[b], sems[b])
        pltpu.async_copy(x_code_hbm.at[dst_v.at[pl.ds(off, CHUNK)]],
                         codes[b], sems[b])

    def wait_rows(b):
        pltpu.make_async_copy(x_req_hbm.at[pl.ds(0, CHUNK)], reqs[b],
                              sems[b]).wait()
        pltpu.make_async_copy(x_code_hbm.at[pl.ds(0, CHUNK)], codes[b],
                              sems[b]).wait()

    lane_ids = lax.iota(jnp.int32, LANES)

    def compute(c, b):
        req_v, code_v = reqs[b], codes[b]
        obase = c * CHUNK

        @pl.loop(0, GROUPS)
        def _(g):
            gbase = g * LANES

            def edge_body(e, acc):
                edge = gbase + e
                ps = [req_v[edge, pl.ds(k * LANES, LANES)]
                      * code_v[edge, pl.ds(k * LANES, LANES)]
                      for k in range(D // LANES)]
                while len(ps) > 1:
                    ps = [ps[j] + ps[j + 1] for j in range(0, len(ps), 2)]
                s = jnp.sum(ps[0])
                return jnp.where(lane_ids == e, s, acc)

            acc = pl.loop(0, LANES, init_carry=jnp.zeros((LANES,), jnp.float32),
                          unroll=2)(edge_body)
            sig = 1.0 / (1.0 + jnp.exp(-acc))
            out_v[pl.ds(obase + gbase, LANES)] = sig

    for b in range(NBUF - 1):
        fire(b, b)

    @pl.loop(0, NCHUNKS - 1, step=NBUF)
    def _(i):
        for b in range(NBUF):
            c = i + b
            wait_rows(b)
            nxt = c + NBUF - 1

            @pl.when(nxt < NCHUNKS)
            def _():
                fire(nxt, (b + NBUF - 1) % NBUF)

            compute(c, b)

    wait_rows(0)
    compute(NCHUNKS - 1, 0)

    pltpu.sync_copy(out_v, out_hbm.at[pl.ds(wbase, EPW)])


def _make_classifier():
    mesh = plsc.VectorSubcoreMesh(core_axis_name="c", subcore_axis_name="s",
                                  num_cores=NC, num_subcores=NS)
    row_t = pltpu.VMEM((CHUNK, D), jnp.float32)
    return pl.kernel(
        _body,
        out_type=jax.ShapeDtypeStruct((N_EDGES,), jnp.float32),
        mesh=mesh,
        scratch_types=[
            pltpu.VMEM((EPW,), jnp.int32),
            pltpu.VMEM((EPW,), jnp.int32),
            row_t, row_t, row_t, row_t, row_t, row_t, row_t, row_t,
            pltpu.VMEM((EPW,), jnp.float32),
            pltpu.SemaphoreType.DMA,
            pltpu.SemaphoreType.DMA,
            pltpu.SemaphoreType.DMA,
            pltpu.SemaphoreType.DMA,
        ],
        compiler_params=pltpu.CompilerParams(needs_layout_passes=False),
    )


@jax.jit
def _classifier(x_req, x_code, src, dst):
    return _make_classifier()(x_req, x_code, src, dst)


def kernel(x_req, x_code, edge_label_index):
    src = edge_label_index[0].astype(jnp.int32)
    dst = edge_label_index[1].astype(jnp.int32)
    return _classifier(x_req, x_code, src, dst)

# --- scband reference (transcript-rebuilt; emitter-appended) ---
"""Pipeline reference for scband-classifier-34651796144564 (READ-ONLY COPY).

The authoritative reference and input builder live on the scoring server;
editing this copy changes nothing except your own understanding.
"""

import jax, jax.numpy as jnp
import numpy as np

N_NODES = 10000
D_FEAT = 128
N_EDGES = 320000


def setup_inputs(seed: int = 0) -> dict:
    key = jax.random.key(seed)
    k1, k2, k3 = jax.random.split(key, 3)
    x_req = jax.random.normal(k1, (N_NODES, D_FEAT), dtype=jnp.float32)
    x_code = jax.random.normal(k2, (N_NODES, D_FEAT), dtype=jnp.float32)
    edge_label_index = jax.random.randint(k3, (2, N_EDGES), 0, N_NODES, dtype=jnp.int64 if jax.config.jax_enable_x64 else jnp.int32)
    return {"x_req": x_req, "x_code": x_code, "edge_label_index": edge_label_index}


def reference(x_req, x_code, edge_label_index):
    # gather node features for each edge endpoint
    edge_feat_req = jnp.take(x_req, edge_label_index[0], axis=0)
    edge_feat_code = jnp.take(x_code, edge_label_index[1], axis=0)
    # elementwise product + reduce over feature dim, then sigmoid
    logits = jnp.sum(edge_feat_req * edge_feat_code, axis=-1)
    return jax.nn.sigmoid(logits)

if __name__ == "__main__":
    import jax
    _d = setup_inputs()
    print(jax.jit(kernel)(*tuple(_d.values())))

</pallas_src>

<mosaic_0001>
#map = affine_map<(d0, d1) -> (0, 0)>
#map1 = affine_map<(d0, d1) -> (0)>
module attributes {stable_mosaic.version = 14 : i64} {
  func.func @_body(%arg0: i32, %arg1: i32, %arg2: memref<10000x128xf32, #tpu.memory_space<hbm>>, %arg3: memref<10000x128xf32, #tpu.memory_space<hbm>>, %arg4: memref<320000xi32, #tpu.memory_space<hbm>>, %arg5: memref<320000xi32, #tpu.memory_space<hbm>>, %arg6: memref<320000xf32, #tpu.memory_space<hbm>>, %arg7: memref<10000xi32, #tpu.memory_space<vmem>>, %arg8: memref<10000xi32, #tpu.memory_space<vmem>>, %arg9: memref<80x128xf32, #tpu.memory_space<vmem>>, %arg10: memref<80x128xf32, #tpu.memory_space<vmem>>, %arg11: memref<80x128xf32, #tpu.memory_space<vmem>>, %arg12: memref<80x128xf32, #tpu.memory_space<vmem>>, %arg13: memref<80x128xf32, #tpu.memory_space<vmem>>, %arg14: memref<80x128xf32, #tpu.memory_space<vmem>>, %arg15: memref<80x128xf32, #tpu.memory_space<vmem>>, %arg16: memref<80x128xf32, #tpu.memory_space<vmem>>, %arg17: memref<10000xf32, #tpu.memory_space<vmem>>, %arg18: memref<!tpu.dma_semaphore, #tpu.memory_space<semaphore_mem>>, %arg19: memref<!tpu.dma_semaphore, #tpu.memory_space<semaphore_mem>>, %arg20: memref<!tpu.dma_semaphore, #tpu.memory_space<semaphore_mem>>, %arg21: memref<!tpu.dma_semaphore, #tpu.memory_space<semaphore_mem>>) attributes {dimension_semantics = [#tpu.dimension_semantics<core_parallel>, #tpu.dimension_semantics<subcore_parallel>], iteration_bounds = array<i64: 2, 16>, scalar_prefetch = 0 : i64, scratch_operands = 15 : i64, tpu.core_type = #tpu.core_type<sc_vector_subcore>, window_params = [{transform_indices = #map}, {transform_indices = #map}, {transform_indices = #map1}, {transform_indices = #map1}, {transform_indices = #map1}]} {
    %mul3A = arith.constant 2 : i32
    %mul3A_0 = arith.muli %arg1, %mul3A : i32
    %add3A = arith.addi %mul3A_0, %arg0 : i32
    %mul3A_1 = arith.constant 10000 : i32
    %mul3A_2 = arith.muli %add3A, %mul3A_1 : i32
    "tpu.region"() ({
      %run_scoped3A = tpu.sem_alloc : memref<!tpu.dma_semaphore, #tpu.memory_space<semaphore_mem>>
      %dma_start3A_52 = tpu.memref_slice %arg4[%mul3A_2] : memref<320000xi32, #tpu.memory_space<hbm>> -> memref<10000xi32, #tpu.memory_space<hbm>>
      %dma_start3A_53 = tpu.memref_slice %arg4[%mul3A_2] : memref<320000xi32, #tpu.memory_space<hbm>> -> memref<10000xi32, #tpu.memory_space<hbm>>
      tpu.enqueue_dma source(%dma_start3A_53 : memref<10000xi32, #tpu.memory_space<hbm>>) target(%arg7 : memref<10000xi32, #tpu.memory_space<vmem>>) target_semaphore(%run_scoped3A : memref<!tpu.dma_semaphore, #tpu.memory_space<semaphore_mem>>)
      %dma_wait3A_54 = tpu.memref_slice %arg4[%mul3A_2] : memref<320000xi32, #tpu.memory_space<hbm>> -> memref<10000xi32, #tpu.memory_space<hbm>>
      %dma_wait3A_55 = tpu.memref_slice %arg4[%mul3A_2] : memref<320000xi32, #tpu.memory_space<hbm>> -> memref<10000xi32, #tpu.memory_space<hbm>>
      tpu.wait_dma2 semaphore(%run_scoped3A : memref<!tpu.dma_semaphore, #tpu.memory_space<semaphore_mem>>) src(%dma_wait3A_55 : memref<10000xi32, #tpu.memory_space<hbm>>) dst(%arg7 : memref<10000xi32, #tpu.memory_space<vmem>>)
      tpu.yield
    }) : () -> ()
    "tpu.region"() ({
      %run_scoped3A = tpu.sem_alloc : memref<!tpu.dma_semaphore, #tpu.memory_space<semaphore_mem>>
      %dma_start3A_52 = tpu.memref_slice %arg5[%mul3A_2] : memref<320000xi32, #tpu.memory_space<hbm>> -> memref<10000xi32, #tpu.memory_space<hbm>>
      %dma_start3A_53 = tpu.memref_slice %arg5[%mul3A_2] : memref<320000xi32, #tpu.memory_space<hbm>> -> memref<10000xi32, #tpu.memory_space<hbm>>
      tpu.enqueue_dma source(%dma_start3A_53 : memref<10000xi32, #tpu.memory_space<hbm>>) target(%arg8 : memref<10000xi32, #tpu.memory_space<vmem>>) target_semaphore(%run_scoped3A : memref<!tpu.dma_semaphore, #tpu.memory_space<semaphore_mem>>)
      %dma_wait3A_54 = tpu.memref_slice %arg5[%mul3A_2] : memref<320000xi32, #tpu.memory_space<hbm>> -> memref<10000xi32, #tpu.memory_space<hbm>>
      %dma_wait3A_55 = tpu.memref_slice %arg5[%mul3A_2] : memref<320000xi32, #tpu.memory_space<hbm>> -> memref<10000xi32, #tpu.memory_space<hbm>>
      tpu.wait_dma2 semaphore(%run_scoped3A : memref<!tpu.dma_semaphore, #tpu.memory_space<semaphore_mem>>) src(%dma_wait3A_55 : memref<10000xi32, #tpu.memory_space<hbm>>) dst(%arg8 : memref<10000xi32, #tpu.memory_space<vmem>>)
      tpu.yield
    }) : () -> ()
    %iota3A = tpu.iota {dimensions = array<i32: 0>} : vector<16xi32>
    %dma_start3A = arith.constant 0 : i32
    %dma_start3A_3 = tpu.memref_slice %arg7[%dma_start3A] : memref<10000xi32, #tpu.memory_space<vmem>> -> memref<80xi32, #tpu.memory_space<vmem>>
    %dma_start3A_4 = arith.constant 0 : i32
    %dma_start3A_5 = arith.constant 0 : i32
    %dma_start3A_6 = tpu.memref_slice %arg2[%dma_start3A_4, %dma_start3A_5] : memref<10000x128xf32, #tpu.memory_space<hbm>> -> memref<10000x128xf32, #tpu.memory_space<hbm>>
    tpu.enqueue_indirect_dma source(%dma_start3A_6 : memref<10000x128xf32, #tpu.memory_space<hbm>>) target(%arg9 : memref<80x128xf32, #tpu.memory_space<vmem>>) offsets(%dma_start3A_3 : memref<80xi32, #tpu.memory_space<vmem>>) semaphore(%arg18 : memref<!tpu.dma_semaphore, #tpu.memory_space<semaphore_mem>>)
    %dma_start3A_7 = arith.constant 0 : i32
    %dma_start3A_8 = tpu.memref_slice %arg8[%dma_start3A_7] : memref<10000xi32, #tpu.memory_space<vmem>> -> memref<80xi32, #tpu.memory_space<vmem>>
    %dma_start3A_9 = arith.constant 0 : i32
    %dma_start3A_10 = arith.constant 0 : i32
    %dma_start3A_11 = tpu.memref_slice %arg3[%dma_start3A_9, %dma_start3A_10] : memref<10000x128xf32, #tpu.memory_space<hbm>> -> memref<10000x128xf32, #tpu.memory_space<hbm>>
    tpu.enqueue_indirect_dma source(%dma_start3A_11 : memref<10000x128xf32, #tpu.memory_space<hbm>>) target(%arg13 : memref<80x128xf32, #tpu.memory_space<vmem>>) offsets(%dma_start3A_8 : memref<80xi32, #tpu.memory_space<vmem>>) semaphore(%arg18 : memref<!tpu.dma_semaphore, #tpu.memory_space<semaphore_mem>>)
    %dma_start3A_12 = arith.constant 80 : i32
    %dma_start3A_13 = tpu.memref_slice %arg7[%dma_start3A_12] : memref<10000xi32, #tpu.memory_space<vmem>> -> memref<80xi32, #tpu.memory_space<vmem>>
    %dma_start3A_14 = arith.constant 0 : i32
    %dma_start3A_15 = arith.constant 0 : i32
    %dma_start3A_16 = tpu.memref_slice %arg2[%dma_start3A_14, %dma_start3A_15] : memref<10000x128xf32, #tpu.memory_space<hbm>> -> memref<10000x128xf32, #tpu.memory_space<hbm>>
    tpu.enqueue_indirect_dma source(%dma_start3A_16 : memref<10000x128xf32, #tpu.memory_space<hbm>>) target(%arg10 : memref<80x128xf32, #tpu.memory_space<vmem>>) offsets(%dma_start3A_13 : memref<80xi32, #tpu.memory_space<vmem>>) semaphore(%arg19 : memref<!tpu.dma_semaphore, #tpu.memory_space<semaphore_mem>>)
    %dma_start3A_17 = arith.constant 80 : i32
    %dma_start3A_18 = tpu.memref_slice %arg8[%dma_start3A_17] : memref<10000xi32, #tpu.memory_space<vmem>> -> memref<80xi32, #tpu.memory_space<vmem>>
    %dma_start3A_19 = arith.constant 0 : i32
    %dma_start3A_20 = arith.constant 0 : i32
    %dma_start3A_21 = tpu.memref_slice %arg3[%dma_start3A_19, %dma_start3A_20] : memref<10000x128xf32, #tpu.memory_space<hbm>> -> memref<10000x128xf32, #tpu.memory_space<hbm>>
    tpu.enqueue_indirect_dma source(%dma_start3A_21 : memref<10000x128xf32, #tpu.memory_space<hbm>>) target(%arg14 : memref<80x128xf32, #tpu.memory_space<vmem>>) offsets(%dma_start3A_18 : memref<80xi32, #tpu.memory_space<vmem>>) semaphore(%arg19 : memref<!tpu.dma_semaphore, #tpu.memory_space<semaphore_mem>>)
    %dma_start3A_22 = arith.constant 160 : i32
    %dma_start3A_23 = tpu.memref_slice %arg7[%dma_start3A_22] : memref<10000xi32, #tpu.memory_space<vmem>> -> memref<80xi32, #tpu.memory_space<vmem>>
    %dma_start3A_24 = arith.constant 0 : i32
    %dma_start3A_25 = arith.constant 0 : i32
    %dma_start3A_26 = tpu.memref_slice %arg2[%dma_start3A_24, %dma_start3A_25] : memref<10000x128xf32, #tpu.memory_space<hbm>> -> memref<10000x128xf32, #tpu.memory_space<hbm>>
    tpu.enqueue_indirect_dma source(%dma_start3A_26 : memref<10000x128xf32, #tpu.memory_space<hbm>>) target(%arg11 : memref<80x128xf32, #tpu.memory_space<vmem>>) offsets(%dma_start3A_23 : memref<80xi32, #tpu.memory_space<vmem>>) semaphore(%arg20 : memref<!tpu.dma_semaphore, #tpu.memory_space<semaphore_mem>>)
    %dma_start3A_27 = arith.constant 160 : i32
    %dma_start3A_28 = tpu.memref_slice %arg8[%dma_start3A_27] : memref<10000xi32, #tpu.memory_space<vmem>> -> memref<80xi32, #tpu.memory_space<vmem>>
    %dma_start3A_29 = arith.constant 0 : i32
    %dma_start3A_30 = arith.constant 0 : i32
    %dma_start3A_31 = tpu.memref_slice %arg3[%dma_start3A_29, %dma_start3A_30] : memref<10000x128xf32, #tpu.memory_space<hbm>> -> memref<10000x128xf32, #tpu.memory_space<hbm>>
    tpu.enqueue_indirect_dma source(%dma_start3A_31 : memref<10000x128xf32, #tpu.memory_space<hbm>>) target(%arg15 : memref<80x128xf32, #tpu.memory_space<vmem>>) offsets(%dma_start3A_28 : memref<80xi32, #tpu.memory_space<vmem>>) semaphore(%arg20 : memref<!tpu.dma_semaphore, #tpu.memory_space<semaphore_mem>>)
    %scan3A = arith.constant 0 : i32
    %scan3A_32 = arith.constant 31 : i32
    %scan3A_33 = arith.addi %scan3A, %scan3A_32 : i32
    %scan3A_34 = arith.constant 1 : i32
    scf.for %scan3A_52 = %scan3A to %scan3A_33 step %scan3A_34  : i32 {
      %mul3A_53 = arith.constant 4 : i32
      %mul3A_54 = arith.muli %scan3A_52, %mul3A_53 : i32
      %add3A_55 = arith.constant 0 : i32
      %add3A_56 = arith.addi %add3A_55, %mul3A_54 : i32
      %add3A_57 = arith.constant 0 : i32
      %add3A_58 = arith.addi %add3A_56, %add3A_57 : i32
      %dma_wait3A_59 = arith.constant 0 : i32
      %dma_wait3A_60 = arith.constant 0 : i32
      %dma_wait3A_61 = tpu.memref_slice %arg2[%dma_wait3A_59, %dma_wait3A_60] : memref<10000x128xf32, #tpu.memory_space<hbm>> -> memref<80x128xf32, #tpu.memory_space<hbm>>
      %dma_wait3A_62 = arith.constant 0 : i32
      %dma_wait3A_63 = arith.constant 0 : i32
      %dma_wait3A_64 = tpu.memref_slice %arg2[%dma_wait3A_62, %dma_wait3A_63] : memref<10000x128xf32, #tpu.memory_space<hbm>> -> memref<80x128xf32, #tpu.memory_space<hbm>>
      tpu.wait_dma2 semaphore(%arg18 : memref<!tpu.dma_semaphore, #tpu.memory_space<semaphore_mem>>) src(%dma_wait3A_64 : memref<80x128xf32, #tpu.memory_space<hbm>>) dst(%arg9 : memref<80x128xf32, #tpu.memory_space<vmem>>)
      %dma_wait3A_65 = arith.constant 0 : i32
      %dma_wait3A_66 = arith.constant 0 : i32
      %dma_wait3A_67 = tpu.memref_slice %arg3[%dma_wait3A_65, %dma_wait3A_66] : memref<10000x128xf32, #tpu.memory_space<hbm>> -> memref<80x128xf32, #tpu.memory_space<hbm>>
      %dma_wait3A_68 = arith.constant 0 : i32
      %dma_wait3A_69 = arith.constant 0 : i32
      %dma_wait3A_70 = tpu.memref_slice %arg3[%dma_wait3A_68, %dma_wait3A_69] : memref<10000x128xf32, #tpu.memory_space<hbm>> -> memref<80x128xf32, #tpu.memory_space<hbm>>
      tpu.wait_dma2 semaphore(%arg18 : memref<!tpu.dma_semaphore, #tpu.memory_space<semaphore_mem>>) src(%dma_wait3A_70 : memref<80x128xf32, #tpu.memory_space<hbm>>) dst(%arg13 : memref<80x128xf32, #tpu.memory_space<vmem>>)
      %add3A_71 = arith.constant 4 : i32
      %add3A_72 = arith.addi %add3A_58, %add3A_71 : i32
      %sub3A = arith.constant 1 : i32
      %sub3A_73 = arith.subi %add3A_72, %sub3A : i32
      %lt3A = arith.constant 125 : i32
      %lt3A_74 = arith.cmpi slt, %sub3A_73, %lt3A : i32
      %convert_element_type3A = arith.extui %lt3A_74 : i1 to i32
      %cond3A = arith.constant 0 : i32
      %cond3A_75 = arith.cmpi ne, %convert_element_type3A, %cond3A : i32
      scf.if %cond3A_75 {
        %mul3A_173 = arith.constant 80 : i32
        %mul3A_174 = arith.muli %sub3A_73, %mul3A_173 : i32
        %dma_start3A_175 = tpu.memref_slice %arg7[%mul3A_174] : memref<10000xi32, #tpu.memory_space<vmem>> -> memref<80xi32, #tpu.memory_space<vmem>>
        %dma_start3A_176 = arith.constant 0 : i32
        %dma_start3A_177 = arith.constant 0 : i32
        %dma_start3A_178 = tpu.memref_slice %arg2[%dma_start3A_176, %dma_start3A_177] : memref<10000x128xf32, #tpu.memory_space<hbm>> -> memref<10000x128xf32, #tpu.memory_space<hbm>>
        tpu.enqueue_indirect_dma source(%dma_start3A_178 : memref<10000x128xf32, #tpu.memory_space<hbm>>) target(%arg12 : memref<80x128xf32, #tpu.memory_space<vmem>>) offsets(%dma_start3A_175 : memref<80xi32, #tpu.memory_space<vmem>>) semaphore(%arg21 : memref<!tpu.dma_semaphore, #tpu.memory_space<semaphore_mem>>)
        %dma_start3A_179 = tpu.memref_slice %arg8[%mul3A_174] : memref<10000xi32, #tpu.memory_space<vmem>> -> memref<80xi32, #tpu.memory_space<vmem>>
        %dma_start3A_180 = arith.constant 0 : i32
        %dma_start3A_181 = arith.constant 0 : i32
        %dma_start3A_182 = tpu.memref_slice %arg3[%dma_start3A_180, %dma_start3A_181] : memref<10000x128xf32, #tpu.memory_space<hbm>> -> memref<10000x128xf32, #tpu.memory_space<hbm>>
        tpu.enqueue_indirect_dma source(%dma_start3A_182 : memref<10000x128xf32, #tpu.memory_space<hbm>>) target(%arg16 : memref<80x128xf32, #tpu.memory_space<vmem>>) offsets(%dma_start3A_179 : memref<80xi32, #tpu.memory_space<vmem>>) semaphore(%arg21 : memref<!tpu.dma_semaphore, #tpu.memory_space<semaphore_mem>>)
      } else {
      }
      %mul3A_76 = arith.constant 80 : i32
      %mul3A_77 = arith.muli %add3A_58, %mul3A_76 : i32
      %scan3A_78 = arith.constant 0 : i32
      %scan3A_79 = arith.constant 5 : i32
      %scan3A_80 = arith.addi %scan3A_78, %scan3A_79 : i32
      %scan3A_81 = arith.constant 1 : i32
      scf.for %scan3A_173 = %scan3A_78 to %scan3A_80 step %scan3A_81  : i32 {
        %mul3A_174 = arith.constant 1 : i32
        %mul3A_175 = arith.muli %scan3A_173, %mul3A_174 : i32
        %add3A_176 = arith.constant 0 : i32
        %add3A_177 = arith.addi %add3A_176, %mul3A_175 : i32
        %mul3A_178 = arith.constant 16 : i32
        %mul3A_179 = arith.muli %add3A_177, %mul3A_178 : i32
        %broadcast_in_dim3A = arith.constant 0.000000e+00 : f32
        %broadcast_in_dim3A_180 = vector.broadcast %broadcast_in_dim3A : f32 to vector<16xf32>
        %scan3A_181 = arith.constant 0 : i32
        %scan3A_182 = arith.constant 16 : i32
        %scan3A_183 = arith.addi %scan3A_181, %scan3A_182 : i32
        %scan3A_184 = arith.constant 2 : i32
        %scan3A_185 = scf.for %scan3A_196 = %scan3A_181 to %scan3A_183 step %scan3A_184 iter_args(%scan3A_197 = %broadcast_in_dim3A_180) -> (vector<16xf32>)  : i32 {
          %mul3A_198 = arith.constant 1 : i32
          %mul3A_199 = arith.muli %scan3A_196, %mul3A_198 : i32
          %add3A_200 = arith.constant 0 : i32
          %add3A_201 = arith.addi %add3A_200, %mul3A_199 : i32
          %add3A_202 = arith.addi %mul3A_179, %add3A_201 : i32
          %get3A = arith.index_cast %add3A_202 : i32 to index
          %get3A_203 = arith.constant 0 : index
          %get3A_204 = tpu.vector_load %arg9[%get3A, %get3A_203] {strides = array<i32>} : memref<80x128xf32, #tpu.memory_space<vmem>>, vector<16xf32>,
          %get3A_205 = arith.index_cast %add3A_202 : i32 to index
          %get3A_206 = arith.constant 0 : index
          %get3A_207 = tpu.vector_load %arg13[%get3A_205, %get3A_206] {strides = array<i32>} : memref<80x128xf32, #tpu.memory_space<vmem>>, vector<16xf32>,
          %mul3A_208 = arith.mulf %get3A_204, %get3A_207 : vector<16xf32>
          %get3A_209 = arith.index_cast %add3A_202 : i32 to index
          %get3A_210 = arith.constant 16 : index
          %get3A_211 = tpu.vector_load %arg9[%get3A_209, %get3A_210] {strides = array<i32>} : memref<80x128xf32, #tpu.memory_space<vmem>>, vector<16xf32>,
          %get3A_212 = arith.index_cast %add3A_202 : i32 to index
          %get3A_213 = arith.constant 16 : index
          %get3A_214 = tpu.vector_load %arg13[%get3A_212, %get3A_213] {strides = array<i32>} : memref<80x128xf32, #tpu.memory_space<vmem>>, vector<16xf32>,
          %mul3A_215 = arith.mulf %get3A_211, %get3A_214 : vector<16xf32>
          %get3A_216 = arith.index_cast %add3A_202 : i32 to index
          %get3A_217 = arith.constant 32 : index
          %get3A_218 = tpu.vector_load %arg9[%get3A_216, %get3A_217] {strides = array<i32>} : memref<80x128xf32, #tpu.memory_space<vmem>>, vector<16xf32>,
          %get3A_219 = arith.index_cast %add3A_202 : i32 to index
          %get3A_220 = arith.constant 32 : index
          %get3A_221 = tpu.vector_load %arg13[%get3A_219, %get3A_220] {strides = array<i32>} : memref<80x128xf32, #tpu.memory_space<vmem>>, vector<16xf32>,
          %mul3A_222 = arith.mulf %get3A_218, %get3A_221 : vector<16xf32>
          %get3A_223 = arith.index_cast %add3A_202 : i32 to index
          %get3A_224 = arith.constant 48 : index
          %get3A_225 = tpu.vector_load %arg9[%get3A_223, %get3A_224] {strides = array<i32>} : memref<80x128xf32, #tpu.memory_space<vmem>>, vector<16xf32>,
          %get3A_226 = arith.index_cast %add3A_202 : i32 to index
          %get3A_227 = arith.constant 48 : index
          %get3A_228 = tpu.vector_load %arg13[%get3A_226, %get3A_227] {strides = array<i32>} : memref<80x128xf32, #tpu.memory_space<vmem>>, vector<16xf32>,
          %mul3A_229 = arith.mulf %get3A_225, %get3A_228 : vector<16xf32>
          %get3A_230 = arith.index_cast %add3A_202 : i32 to index
          %get3A_231 = arith.constant 64 : index
          %get3A_232 = tpu.vector_load %arg9[%get3A_230, %get3A_231] {strides = array<i32>} : memref<80x128xf32, #tpu.memory_space<vmem>>, vector<16xf32>,
          %get3A_233 = arith.index_cast %add3A_202 : i32 to index
          %get3A_234 = arith.constant 64 : index
          %get3A_235 = tpu.vector_load %arg13[%get3A_233, %get3A_234] {strides = array<i32>} : memref<80x128xf32, #tpu.memory_space<vmem>>, vector<16xf32>,
          %mul3A_236 = arith.mulf %get3A_232, %get3A_235 : vector<16xf32>
          %get3A_237 = arith.index_cast %add3A_202 : i32 to index
          %get3A_238 = arith.constant 80 : index
          %get3A_239 = tpu.vector_load %arg9[%get3A_237, %get3A_238] {strides = array<i32>} : memref<80x128xf32, #tpu.memory_space<vmem>>, vector<16xf32>,
          %get3A_240 = arith.index_cast %add3A_202 : i32 to index
          %get3A_241 = arith.constant 80 : index
          %get3A_242 = tpu.vector_load %arg13[%get3A_240, %get3A_241] {strides = array<i32>} : memref<80x128xf32, #tpu.memory_space<vmem>>, vector<16xf32>,
          %mul3A_243 = arith.mulf %get3A_239, %get3A_242 : vector<16xf32>
          %get3A_244 = arith.index_cast %add3A_202 : i32 to index
          %get3A_245 = arith.constant 96 : index
          %get3A_246 = tpu.vector_load %arg9[%get3A_244, %get3A_245] {strides = array<i32>} : memref<80x128xf32, #tpu.memory_space<vmem>>, vector<16xf32>,
          %get3A_247 = arith.index_cast %add3A_202 : i32 to index
          %get3A_248 = arith.constant 96 : index
          %get3A_249 = tpu.vector_load %arg13[%get3A_247, %get3A_248] {strides = array<i32>} : memref<80x128xf32, #tpu.memory_space<vmem>>, vector<16xf32>,
          %mul3A_250 = arith.mulf %get3A_246, %get3A_249 : vector<16xf32>
          %get3A_251 = arith.index_cast %add3A_202 : i32 to index
          %get3A_252 = arith.constant 112 : index
          %get3A_253 = tpu.vector_load %arg9[%get3A_251, %get3A_252] {strides = array<i32>} : memref<80x128xf32, #tpu.memory_space<vmem>>, vector<16xf32>,
          %get3A_254 = arith.index_cast %add3A_202 : i32 to index
          %get3A_255 = arith.constant 112 : index
          %get3A_256 = tpu.vector_load %arg13[%get3A_254, %get3A_255] {strides = array<i32>} : memref<80x128xf32, #tpu.memory_space<vmem>>, vector<16xf32>,
          %mul3A_257 = arith.mulf %get3A_253, %get3A_256 : vector<16xf32>
          %add3A_258 = arith.addf %mul3A_208, %mul3A_215 : vector<16xf32>
          %add3A_259 = arith.addf %mul3A_222, %mul3A_229 : vector<16xf32>
          %add3A_260 = arith.addf %mul3A_236, %mul3A_243 : vector<16xf32>
          %add3A_261 = arith.addf %mul3A_250, %mul3A_257 : vector<16xf32>
          %add3A_262 = arith.addf %add3A_258, %add3A_259 : vector<16xf32>
          %add3A_263 = arith.addf %add3A_260, %add3A_261 : vector<16xf32>
          %add3A_264 = arith.addf %add3A_262, %add3A_263 : vector<16xf32>
          %reduce_sum3A = arith.constant true
          %reduce_sum3A_265 = vector.broadcast %reduce_sum3A : i1 to vector<16xi1>
          %reduce_sum3A_266 = tpu.scan <sum>, %add3A_264 masked %reduce_sum3A_265 : vector<16xf32>, vector<16xi1> -> vector<16xf32>
          %reduce_sum3A_267 = vector.extract %reduce_sum3A_266[15] : f32 from vector<16xf32>
          %eq3A = vector.broadcast %add3A_201 : i32 to vector<16xi32>
          %eq3A_268 = arith.cmpi eq, %iota3A, %eq3A : vector<16xi32>
          %broadcast_in_dim3A_269 = vector.broadcast %reduce_sum3A_267 : f32 to vector<16xf32>
          %select_n3A = arith.select %eq3A_268, %broadcast_in_dim3A_269, %scan3A_197 : vector<16xi1>, vector<16xf32>
          %scan3A_270 = arith.constant 1 : i32
          %scan3A_271 = arith.addi %scan3A_196, %scan3A_270 : i32
          %mul3A_272 = arith.constant 1 : i32
          %mul3A_273 = arith.muli %scan3A_271, %mul3A_272 : i32
          %add3A_274 = arith.constant 0 : i32
          %add3A_275 = arith.addi %add3A_274, %mul3A_273 : i32
          %add3A_276 = arith.addi %mul3A_179, %add3A_275 : i32
          %get3A_277 = arith.index_cast %add3A_276 : i32 to index
          %get3A_278 = arith.constant 0 : index
          %get3A_279 = tpu.vector_load %arg9[%get3A_277, %get3A_278] {strides = array<i32>} : memref<80x128xf32, #tpu.memory_space<vmem>>, vector<16xf32>,
          %get3A_280 = arith.index_cast %add3A_276 : i32 to index
          %get3A_281 = arith.constant 0 : index
          %get3A_282 = tpu.vector_load %arg13[%get3A_280, %get3A_281] {strides = array<i32>} : memref<80x128xf32, #tpu.memory_space<vmem>>, vector<16xf32>,
          %mul3A_283 = arith.mulf %get3A_279, %get3A_282 : vector<16xf32>
          %get3A_284 = arith.index_cast %add3A_276 : i32 to index
          %get3A_285 = arith.constant 16 : index
          %get3A_286 = tpu.vector_load %arg9[%get3A_284, %get3A_285] {strides = array<i32>} : memref<80x128xf32, #tpu.memory_space<vmem>>, vector<16xf32>,
          %get3A_287 = arith.index_cast %add3A_276 : i32 to index
          %get3A_288 = arith.constant 16 : index
          %get3A_289 = tpu.vector_load %arg13[%get3A_287, %get3A_288] {strides = array<i32>} : memref<80x128xf32, #tpu.memory_space<vmem>>, vector<16xf32>,
          %mul3A_290 = arith.mulf %get3A_286, %get3A_289 : vector<16xf32>
          %get3A_291 = arith.index_cast %add3A_276 : i32 to index
          %get3A_292 = arith.constant 32 : index
          %get3A_293 = tpu.vector_load %arg9[%get3A_291, %get3A_292] {strides = array<i32>} : memref<80x128xf32, #tpu.memory_space<vmem>>, vector<16xf32>,
          %get3A_294 = arith.index_cast %add3A_276 : i32 to index
          %get3A_295 = arith.constant 32 : index
          %get3A_296 = tpu.vector_load %arg13[%get3A_294, %get3A_295] {strides = array<i32>} : memref<80x128xf32, #tpu.memory_space<vmem>>, vector<16xf32>,
          %mul3A_297 = arith.mulf %get3A_293, %get3A_296 : vector<16xf32>
          %get3A_298 = arith.index_cast %add3A_276 : i32 to index
          %get3A_299 = arith.constant 48 : index
          %get3A_300 = tpu.vector_load %arg9[%get3A_298, %get3A_299] {strides = array<i32>} : memref<80x128xf32, #tpu.memory_space<vmem>>, vector<16xf32>,
          %get3A_301 = arith.index_cast %add3A_276 : i32 to index
          %get3A_302 = arith.constant 48 : index
          %get3A_303 = tpu.vector_load %arg13[%get3A_301, %get3A_302] {strides = array<i32>} : memref<80x128xf32, #tpu.memory_space<vmem>>, vector<16xf32>,
          %mul3A_304 = arith.mulf %get3A_300, %get3A_303 : vector<16xf32>
          %get3A_305 = arith.index_cast %add3A_276 : i32 to index
          %get3A_306 = arith.constant 64 : index
          %get3A_307 = tpu.vector_load %arg9[%get3A_305, %get3A_306] {strides = array<i32>} : memref<80x128xf32, #tpu.memory_space<vmem>>, vector<16xf32>,
          %get3A_308 = arith.index_cast %add3A_276 : i32 to index
          %get3A_309 = arith.constant 64 : index
          %get3A_310 = tpu.vector_load %arg13[%get3A_308, %get3A_309] {strides = array<i32>} : memref<80x128xf32, #tpu.memory_space<vmem>>, vector<16xf32>,
          %mul3A_311 = arith.mulf %get3A_307, %get3A_310 : vector<16xf32>
          %get3A_312 = arith.index_cast %add3A_276 : i32 to index
          %get3A_313 = arith.constant 80 : index
          %get3A_314 = tpu.vector_load %arg9[%get3A_312, %get3A_313] {strides = array<i32>} : memref<80x128xf32, #tpu.memory_space<vmem>>, vector<16xf32>,
          %get3A_315 = arith.index_cast %add3A_276 : i32 to index
          %get3A_316 = arith.constant 80 : index
          %get3A_317 = tpu.vector_load %arg13[%get3A_315, %get3A_316] {strides = array<i32>} : memref<80x128xf32, #tpu.memory_space<vmem>>, vector<16xf32>,
          %mul3A_318 = arith.mulf %get3A_314, %get3A_317 : vector<16xf32>
          %get3A_319 = arith.index_cast %add3A_276 : i32 to index
          %get3A_320 = arith.constant 96 : index
          %get3A_321 = tpu.vector_load %arg9[%get3A_319, %get3A_320] {strides = array<i32>} : memref<80x128xf32, #tpu.memory_space<vmem>>, vector<16xf32>,
          %get3A_322 = arith.index_cast %add3A_276 : i32 to index
          %get3A_323 = arith.constant 96 : index
          %get3A_324 = tpu.vector_load %arg13[%get3A_322, %get3A_323] {strides = array<i32>} : memref<80x128xf32, #tpu.memory_space<vmem>>, vector<16xf32>,
          %mul3A_325 = arith.mulf %get3A_321, %get3A_324 : vector<16xf32>
          %get3A_326 = arith.index_cast %add3A_276 : i32 to index
          %get3A_327 = arith.constant 112 : index
          %get3A_328 = tpu.vector_load %arg9[%get3A_326, %get3A_327] {strides = array<i32>} : memref<80x128xf32, #tpu.memory_space<vmem>>, vector<16xf32>,
          %get3A_329 = arith.index_cast %add3A_276 : i32 to index
          %get3A_330 = arith.constant 112 : index
          %get3A_331 = tpu.vector_load %arg13[%get3A_329, %get3A_330] {strides = array<i32>} : memref<80x128xf32, #tpu.memory_space<vmem>>, vector<16xf32>,
          %mul3A_332 = arith.mulf %get3A_328, %get3A_331 : vector<16xf32>
          %add3A_333 = arith.addf %mul3A_283, %mul3A_290 : vector<16xf32>
          %add3A_334 = arith.addf %mul3A_297, %mul3A_304 : vector<16xf32>
          %add3A_335 = arith.addf %mul3A_311, %mul3A_318 : vector<16xf32>
          %add3A_336 = arith.addf %mul3A_325, %mul3A_332 : vector<16xf32>
          %add3A_337 = arith.addf %add3A_333, %add3A_334 : vector<16xf32>
          %add3A_338 = arith.addf %add3A_335, %add3A_336 : vector<16xf32>
          %add3A_339 = arith.addf %add3A_337, %add3A_338 : vector<16xf32>
          %reduce_sum3A_340 = arith.constant true
          %reduce_sum3A_341 = vector.broadcast %reduce_sum3A_340 : i1 to vector<16xi1>
          %reduce_sum3A_342 = tpu.scan <sum>, %add3A_339 masked %reduce_sum3A_341 : vector<16xf32>, vector<16xi1> -> vector<16xf32>
          %reduce_sum3A_343 = vector.extract %reduce_sum3A_342[15] : f32 from vector<16xf32>
          %eq3A_344 = vector.broadcast %add3A_275 : i32 to vector<16xi32>
          %eq3A_345 = arith.cmpi eq, %iota3A, %eq3A_344 : vector<16xi32>
          %broadcast_in_dim3A_346 = vector.broadcast %reduce_sum3A_343 : f32 to vector<16xf32>
          %select_n3A_347 = arith.select %eq3A_345, %broadcast_in_dim3A_346, %select_n3A : vector<16xi1>, vector<16xf32>
          scf.yield %select_n3A_347 : vector<16xf32>
        }
        %scan3A_186 = arith.constant 16 : i32
        %neg3A = arith.constant 0.000000e+00 : f32
        %neg3A_187 = vector.broadcast %neg3A : f32 to vector<16xf32>
        %neg3A_188 = arith.subf %neg3A_187, %scan3A_185 : vector<16xf32>
        %exp3A = math.exp %neg3A_188 : vector<16xf32>
        %add3A_189 = arith.constant 1.000000e+00 : f32
        %add3A_190 = vector.broadcast %add3A_189 : f32 to vector<16xf32>
        %add3A_191 = arith.addf %add3A_190, %exp3A : vector<16xf32>
        %div3A = arith.constant 1.000000e+00 : f32
        %div3A_192 = vector.broadcast %div3A : f32 to vector<16xf32>
        %div3A_193 = arith.divf %div3A_192, %add3A_191 : vector<16xf32>
        %add3A_194 = arith.addi %mul3A_77, %mul3A_179 : i32
        %swap3A = arith.index_cast %add3A_194 : i32 to index
        %swap3A_195 = tpu.vector_load %arg17[%swap3A] {strides = array<i32>} : memref<10000xf32, #tpu.memory_space<vmem>>, vector<16xf32>,
        tpu.vector_store %arg17[%swap3A], %div3A_193 {strides = array<i32>} : memref<10000xf32, #tpu.memory_space<vmem>>, vector<16xf32>,
      }
      %scan3A_82 = arith.constant 5 : i32
      %add3A_83 = arith.constant 1 : i32
      %add3A_84 = arith.addi %add3A_56, %add3A_83 : i32
      %dma_wait3A_85 = arith.constant 0 : i32
      %dma_wait3A_86 = arith.constant 0 : i32
      %dma_wait3A_87 = tpu.memref_slice %arg2[%dma_wait3A_85, %dma_wait3A_86] : memref<10000x128xf32, #tpu.memory_space<hbm>> -> memref<80x128xf32, #tpu.memory_space<hbm>>
      %dma_wait3A_88 = arith.constant 0 : i32
      %dma_wait3A_89 = arith.constant 0 : i32
      %dma_wait3A_90 = tpu.memref_slice %arg2[%dma_wait3A_88, %dma_wait3A_89] : memref<10000x128xf32, #tpu.memory_space<hbm>> -> memref<80x128xf32, #tpu.memory_space<hbm>>
      tpu.wait_dma2 semaphore(%arg19 : memref<!tpu.dma_semaphore, #tpu.memory_space<semaphore_mem>>) src(%dma_wait3A_90 : memref<80x128xf32, #tpu.memory_space<hbm>>) dst(%arg10 : memref<80x128xf32, #tpu.memory_space<vmem>>)
      %dma_wait3A_91 = arith.constant 0 : i32
      %dma_wait3A_92 = arith.constant 0 : i32
      %dma_wait3A_93 = tpu.memref_slice %arg3[%dma_wait3A_91, %dma_wait3A_92] : memref<10000x128xf32, #tpu.memory_space<hbm>> -> memref<80x128xf32, #tpu.memory_space<hbm>>
      %dma_wait3A_94 = arith.constant 0 : i32
      %dma_wait3A_95 = arith.constant 0 : i32
      %dma_wait3A_96 = tpu.memref_slice %arg3[%dma_wait3A_94, %dma_wait3A_95] : memref<10000x128xf32, #tpu.memory_space<hbm>> -> memref<80x128xf32, #tpu.memory_space<hbm>>
      tpu.wait_dma2 semaphore(%arg19 : memref<!tpu.dma_semaphore, #tpu.memory_space<semaphore_mem>>) src(%dma_wait3A_96 : memref<80x128xf32, #tpu.memory_space<hbm>>) dst(%arg14 : memref<80x128xf32, #tpu.memory_space<vmem>>)
      %add3A_97 = arith.constant 4 : i32
      %add3A_98 = arith.addi %add3A_84, %add3A_97 : i32
      %sub3A_99 = arith.constant 1 : i32
      %sub3A_100 = arith.subi %add3A_98, %sub3A_99 : i32
      %lt3A_101 = arith.constant 125 : i32
      %lt3A_102 = arith.cmpi slt, %sub3A_100, %lt3A_101 : i32
      %convert_element_type3A_103 = arith.extui %lt3A_102 : i1 to i32
      %cond3A_104 = arith.constant 0 : i32
      %cond3A_105 = arith.cmpi ne, %convert_element_type3A_103, %cond3A_104 : i32
      scf.if %cond3A_105 {
        %mul3A_173 = arith.constant 80 : i32
        %mul3A_174 = arith.muli %sub3A_100, %mul3A_173 : i32
        %dma_start3A_175 = tpu.memref_slice %arg7[%mul3A_174] : memref<10000xi32, #tpu.memory_space<vmem>> -> memref<80xi32, #tpu.memory_space<vmem>>
        %dma_start3A_176 = arith.constant 0 : i32
        %dma_start3A_177 = arith.constant 0 : i32
        %dma_start3A_178 = tpu.memref_slice %arg2[%dma_start3A_176, %dma_start3A_177] : memref<10000x128xf32, #tpu.memory_space<hbm>> -> memref<10000x128xf32, #tpu.memory_space<hbm>>
        tpu.enqueue_indirect_dma source(%dma_start3A_178 : memref<10000x128xf32, #tpu.memory_space<hbm>>) target(%arg9 : memref<80x128xf32, #tpu.memory_space<vmem>>) offsets(%dma_start3A_175 : memref<80xi32, #tpu.memory_space<vmem>>) semaphore(%arg18 : memref<!tpu.dma_semaphore, #tpu.memory_space<semaphore_mem>>)
        %dma_start3A_179 = tpu.memref_slice %arg8[%mul3A_174] : memref<10000xi32, #tpu.memory_space<vmem>> -> memref<80xi32, #tpu.memory_space<vmem>>
        %dma_start3A_180 = arith.constant 0 : i32
        %dma_start3A_181 = arith.constant 0 : i32
        %dma_start3A_182 = tpu.memref_slice %arg3[%dma_start3A_180, %dma_start3A_181] : memref<10000x128xf32, #tpu.memory_space<hbm>> -> memref<10000x128xf32, #tpu.memory_space<hbm>>
        tpu.enqueue_indirect_dma source(%dma_start3A_182 : memref<10000x128xf32, #tpu.memory_space<hbm>>) target(%arg13 : memref<80x128xf32, #tpu.memory_space<vmem>>) offsets(%dma_start3A_179 : memref<80xi32, #tpu.memory_space<vmem>>) semaphore(%arg18 : memref<!tpu.dma_semaphore, #tpu.memory_space<semaphore_mem>>)
      } else {
      }
      %mul3A_106 = arith.constant 80 : i32
      %mul3A_107 = arith.muli %add3A_84, %mul3A_106 : i32
      %scan3A_108 = arith.constant 0 : i32
      %scan3A_109 = arith.constant 5 : i32
      %scan3A_110 = arith.addi %scan3A_108, %scan3A_109 : i32
      %scan3A_111 = arith.constant 1 : i32
      scf.for %scan3A_173 = %scan3A_108 to %scan3A_110 step %scan3A_111  : i32 {
        %mul3A_174 = arith.constant 1 : i32
        %mul3A_175 = arith.muli %scan3A_173, %mul3A_174 : i32
        %add3A_176 = arith.constant 0 : i32
        %add3A_177 = arith.addi %add3A_176, %mul3A_175 : i32
        %mul3A_178 = arith.constant 16 : i32
        %mul3A_179 = arith.muli %add3A_177, %mul3A_178 : i32
        %broadcast_in_dim3A = arith.constant 0.000000e+00 : f32
        %broadcast_in_dim3A_180 = vector.broadcast %broadcast_in_dim3A : f32 to vector<16xf32>
        %scan3A_181 = arith.constant 0 : i32
        %scan3A_182 = arith.constant 16 : i32
        %scan3A_183 = arith.addi %scan3A_181, %scan3A_182 : i32
        %scan3A_184 = arith.constant 2 : i32
        %scan3A_185 = scf.for %scan3A_196 = %scan3A_181 to %scan3A_183 step %scan3A_184 iter_args(%scan3A_197 = %broadcast_in_dim3A_180) -> (vector<16xf32>)  : i32 {
          %mul3A_198 = arith.constant 1 : i32
          %mul3A_199 = arith.muli %scan3A_196, %mul3A_198 : i32
          %add3A_200 = arith.constant 0 : i32
          %add3A_201 = arith.addi %add3A_200, %mul3A_199 : i32
          %add3A_202 = arith.addi %mul3A_179, %add3A_201 : i32
          %get3A = arith.index_cast %add3A_202 : i32 to index
          %get3A_203 = arith.constant 0 : index
          %get3A_204 = tpu.vector_load %arg10[%get3A, %get3A_203] {strides = array<i32>} : memref<80x128xf32, #tpu.memory_space<vmem>>, vector<16xf32>,
          %get3A_205 = arith.index_cast %add3A_202 : i32 to index
          %get3A_206 = arith.constant 0 : index
          %get3A_207 = tpu.vector_load %arg14[%get3A_205, %get3A_206] {strides = array<i32>} : memref<80x128xf32, #tpu.memory_space<vmem>>, vector<16xf32>,
          %mul3A_208 = arith.mulf %get3A_204, %get3A_207 : vector<16xf32>
          %get3A_209 = arith.index_cast %add3A_202 : i32 to index
          %get3A_210 = arith.constant 16 : index
          %get3A_211 = tpu.vector_load %arg10[%get3A_209, %get3A_210] {strides = array<i32>} : memref<80x128xf32, #tpu.memory_space<vmem>>, vector<16xf32>,
          %get3A_212 = arith.index_cast %add3A_202 : i32 to index
          %get3A_213 = arith.constant 16 : index
          %get3A_214 = tpu.vector_load %arg14[%get3A_212, %get3A_213] {strides = array<i32>} : memref<80x128xf32, #tpu.memory_space<vmem>>, vector<16xf32>,
          %mul3A_215 = arith.mulf %get3A_211, %get3A_214 : vector<16xf32>
          %get3A_216 = arith.index_cast %add3A_202 : i32 to index
          %get3A_217 = arith.constant 32 : index
          %get3A_218 = tpu.vector_load %arg10[%get3A_216, %get3A_217] {strides = array<i32>} : memref<80x128xf32, #tpu.memory_space<vmem>>, vector<16xf32>,
          %get3A_219 = arith.index_cast %add3A_202 : i32 to index
          %get3A_220 = arith.constant 32 : index
          %get3A_221 = tpu.vector_load %arg14[%get3A_219, %get3A_220] {strides = array<i32>} : memref<80x128xf32, #tpu.memory_space<vmem>>, vector<16xf32>,
          %mul3A_222 = arith.mulf %get3A_218, %get3A_221 : vector<16xf32>
          %get3A_223 = arith.index_cast %add3A_202 : i32 to index
          %get3A_224 = arith.constant 48 : index
          %get3A_225 = tpu.vector_load %arg10[%get3A_223, %get3A_224] {strides = array<i32>} : memref<80x128xf32, #tpu.memory_space<vmem>>, vector<16xf32>,
          %get3A_226 = arith.index_cast %add3A_202 : i32 to index
          %get3A_227 = arith.constant 48 : index
          %get3A_228 = tpu.vector_load %arg14[%get3A_226, %get3A_227] {strides = array<i32>} : memref<80x128xf32, #tpu.memory_space<vmem>>, vector<16xf32>,
          %mul3A_229 = arith.mulf %get3A_225, %get3A_228 : vector<16xf32>
          %get3A_230 = arith.index_cast %add3A_202 : i32 to index
          %get3A_231 = arith.constant 64 : index
          %get3A_232 = tpu.vector_load %arg10[%get3A_230, %get3A_231] {strides = array<i32>} : memref<80x128xf32, #tpu.memory_space<vmem>>, vector<16xf32>,
          %get3A_233 = arith.index_cast %add3A_202 : i32 to index
          %get3A_234 = arith.constant 64 : index
          %get3A_235 = tpu.vector_load %arg14[%get3A_233, %get3A_234] {strides = array<i32>} : memref<80x128xf32, #tpu.memory_space<vmem>>, vector<16xf32>,
          %mul3A_236 = arith.mulf %get3A_232, %get3A_235 : vector<16xf32>
          %get3A_237 = arith.index_cast %add3A_202 : i32 to index
          %get3A_238 = arith.constant 80 : index
          %get3A_239 = tpu.vector_load %arg10[%get3A_237, %get3A_238] {strides = array<i32>} : memref<80x128xf32, #tpu.memory_space<vmem>>, vector<16xf32>,
          %get3A_240 = arith.index_cast %add3A_202 : i32 to index
          %get3A_241 = arith.constant 80 : index
          %get3A_242 = tpu.vector_load %arg14[%get3A_240, %get3A_241] {strides = array<i32>} : memref<80x128xf32, #tpu.memory_space<vmem>>, vector<16xf32>,
          %mul3A_243 = arith.mulf %get3A_239, %get3A_242 : vector<16xf32>
          %get3A_244 = arith.index_cast %add3A_202 : i32 to index
          %get3A_245 = arith.constant 96 : index
          %get3A_246 = tpu.vector_load %arg10[%get3A_244, %get3A_245] {strides = array<i32>} : memref<80x128xf32, #tpu.memory_space<vmem>>, vector<16xf32>,
          %get3A_247 = arith.index_cast %add3A_202 : i32 to index
          %get3A_248 = arith.constant 96 : index
          %get3A_249 = tpu.vector_load %arg14[%get3A_247, %get3A_248] {strides = array<i32>} : memref<80x128xf32, #tpu.memory_space<vmem>>, vector<16xf32>,
          %mul3A_250 = arith.mulf %get3A_246, %get3A_249 : vector<16xf32>
          %get3A_251 = arith.index_cast %add3A_202 : i32 to index
          %get3A_252 = arith.constant 112 : index
          %get3A_253 = tpu.vector_load %arg10[%get3A_251, %get3A_252] {strides = array<i32>} : memref<80x128xf32, #tpu.memory_space<vmem>>, vector<16xf32>,
          %get3A_254 = arith.index_cast %add3A_202 : i32 to index
          %get3A_255 = arith.constant 112 : index
          %get3A_256 = tpu.vector_load %arg14[%get3A_254, %get3A_255] {strides = array<i32>} : memref<80x128xf32, #tpu.memory_space<vmem>>, vector<16xf32>,
          %mul3A_257 = arith.mulf %get3A_253, %get3A_256 : vector<16xf32>
          %add3A_258 = arith.addf %mul3A_208, %mul3A_215 : vector<16xf32>
          %add3A_259 = arith.addf %mul3A_222, %mul3A_229 : vector<16xf32>
          %add3A_260 = arith.addf %mul3A_236, %mul3A_243 : vector<16xf32>
          %add3A_261 = arith.addf %mul3A_250, %mul3A_257 : vector<16xf32>
          %add3A_262 = arith.addf %add3A_258, %add3A_259 : vector<16xf32>
          %add3A_263 = arith.addf %add3A_260, %add3A_261 : vector<16xf32>
          %add3A_264 = arith.addf %add3A_262, %add3A_263 : vector<16xf32>
          %reduce_sum3A = arith.constant true
          %reduce_sum3A_265 = vector.broadcast %reduce_sum3A : i1 to vector<16xi1>
          %reduce_sum3A_266 = tpu.scan <sum>, %add3A_264 masked %reduce_sum3A_265 : vector<16xf32>, vector<16xi1> -> vector<16xf32>
          %reduce_sum3A_267 = vector.extract %reduce_sum3A_266[15] : f32 from vector<16xf32>
          %eq3A = vector.broadcast %add3A_201 : i32 to vector<16xi32>
          %eq3A_268 = arith.cmpi eq, %iota3A, %eq3A : vector<16xi32>
          %broadcast_in_dim3A_269 = vector.broadcast %reduce_sum3A_267 : f32 to vector<16xf32>
          %select_n3A = arith.select %eq3A_268, %broadcast_in_dim3A_269, %scan3A_197 : vector<16xi1>, vector<16xf32>
          %scan3A_270 = arith.constant 1 : i32
          %scan3A_271 = arith.addi %scan3A_196, %scan3A_270 : i32
          %mul3A_272 = arith.constant 1 : i32
          %mul3A_273 = arith.muli %scan3A_271, %mul3A_272 : i32
          %add3A_274 = arith.constant 0 : i32
          %add3A_275 = arith.addi %add3A_274, %mul3A_273 : i32
          %add3A_276 = arith.addi %mul3A_179, %add3A_275 : i32
          %get3A_277 = arith.index_cast %add3A_276 : i32 to index
          %get3A_278 = arith.constant 0 : index
          %get3A_279 = tpu.vector_load %arg10[%get3A_277, %get3A_278] {strides = array<i32>} : memref<80x128xf32, #tpu.memory_space<vmem>>, vector<16xf32>,
          %get3A_280 = arith.index_cast %add3A_276 : i32 to index
          %get3A_281 = arith.constant 0 : index
          %get3A_282 = tpu.vector_load %arg14[%get3A_280, %get3A_281] {strides = array<i32>} : memref<80x128xf32, #tpu.memory_space<vmem>>, vector<16xf32>,
          %mul3A_283 = arith.mulf %get3A_279, %get3A_282 : vector<16xf32>
          %get3A_284 = arith.index_cast %add3A_276 : i32 to index
          %get3A_285 = arith.constant 16 : index
          %get3A_286 = tpu.vector_load %arg10[%get3A_284, %get3A_285] {strides = array<i32>} : memref<80x128xf32, #tpu.memory_space<vmem>>, vector<16xf32>,
          %get3A_287 = arith.index_cast %add3A_276 : i32 to index
          %get3A_288 = arith.constant 16 : index
          %get3A_289 = tpu.vector_load %arg14[%get3A_287, %get3A_288] {strides = array<i32>} : memref<80x128xf32, #tpu.memory_space<vmem>>, vector<16xf32>,
          %mul3A_290 = arith.mulf %get3A_286, %get3A_289 : vector<16xf32>
          %get3A_291 = arith.index_cast %add3A_276 : i32 to index
          %get3A_292 = arith.constant 32 : index
          %get3A_293 = tpu.vector_load %arg10[%get3A_291, %get3A_292] {strides = array<i32>} : memref<80x128xf32, #tpu.memory_space<vmem>>, vector<16xf32>,
          %get3A_294 = arith.index_cast %add3A_276 : i32 to index
          %get3A_295 = arith.constant 32 : index
          %get3A_296 = tpu.vector_load %arg14[%get3A_294, %get3A_295] {strides = array<i32>} : memref<80x128xf32, #tpu.memory_space<vmem>>, vector<16xf32>,
          %mul3A_297 = arith.mulf %get3A_293, %get3A_296 : vector<16xf32>
          %get3A_298 = arith.index_cast %add3A_276 : i32 to index
          %get3A_299 = arith.constant 48 : index
          %get3A_300 = tpu.vector_load %arg10[%get3A_298, %get3A_299] {strides = array<i32>} : memref<80x128xf32, #tpu.memory_space<vmem>>, vector<16xf32>,
          %get3A_301 = arith.index_cast %add3A_276 : i32 to index
          %get3A_302 = arith.constant 48 : index
          %get3A_303 = tpu.vector_load %arg14[%get3A_301, %get3A_302] {strides = array<i32>} : memref<80x128xf32, #tpu.memory_space<vmem>>, vector<16xf32>,
          %mul3A_304 = arith.mulf %get3A_300, %get3A_303 : vector<16xf32>
          %get3A_305 = arith.index_cast %add3A_276 : i32 to index
          %get3A_306 = arith.constant 64 : index
          %get3A_307 = tpu.vector_load %arg10[%get3A_305, %get3A_306] {strides = array<i32>} : memref<80x128xf32, #tpu.memory_space<vmem>>, vector<16xf32>,
          %get3A_308 = arith.index_cast %add3A_276 : i32 to index
          %get3A_309 = arith.constant 64 : index
          %get3A_310 = tpu.vector_load %arg14[%get3A_308, %get3A_309] {strides = array<i32>} : memref<80x128xf32, #tpu.memory_space<vmem>>, vector<16xf32>,
          %mul3A_311 = arith.mulf %get3A_307, %get3A_310 : vector<16xf32>
          %get3A_312 = arith.index_cast %add3A_276 : i32 to index
          %get3A_313 = arith.constant 80 : index
          %get3A_314 = tpu.vector_load %arg10[%get3A_312, %get3A_313] {strides = array<i32>} : memref<80x128xf32, #tpu.memory_space<vmem>>, vector<16xf32>,
          %get3A_315 = arith.index_cast %add3A_276 : i32 to index
          %get3A_316 = arith.constant 80 : index
          %get3A_317 = tpu.vector_load %arg14[%get3A_315, %get3A_316] {strides = array<i32>} : memref<80x128xf32, #tpu.memory_space<vmem>>, vector<16xf32>,
          %mul3A_318 = arith.mulf %get3A_314, %get3A_317 : vector<16xf32>
          %get3A_319 = arith.index_cast %add3A_276 : i32 to index
          %get3A_320 = arith.constant 96 : index
          %get3A_321 = tpu.vector_load %arg10[%get3A_319, %get3A_320] {strides = array<i32>} : memref<80x128xf32, #tpu.memory_space<vmem>>, vector<16xf32>,
          %get3A_322 = arith.index_cast %add3A_276 : i32 to index
          %get3A_323 = arith.constant 96 : index
          %get3A_324 = tpu.vector_load %arg14[%get3A_322, %get3A_323] {strides = array<i32>} : memref<80x128xf32, #tpu.memory_space<vmem>>, vector<16xf32>,
          %mul3A_325 = arith.mulf %get3A_321, %get3A_324 : vector<16xf32>
          %get3A_326 = arith.index_cast %add3A_276 : i32 to index
          %get3A_327 = arith.constant 112 : index
          %get3A_328 = tpu.vector_load %arg10[%get3A_326, %get3A_327] {strides = array<i32>} : memref<80x128xf32, #tpu.memory_space<vmem>>, vector<16xf32>,
          %get3A_329 = arith.index_cast %add3A_276 : i32 to index
          %get3A_330 = arith.constant 112 : index
          %get3A_331 = tpu.vector_load %arg14[%get3A_329, %get3A_330] {strides = array<i32>} : memref<80x128xf32, #tpu.memory_space<vmem>>, vector<16xf32>,
          %mul3A_332 = arith.mulf %get3A_328, %get3A_331 : vector<16xf32>
          %add3A_333 = arith.addf %mul3A_283, %mul3A_290 : vector<16xf32>
          %add3A_334 = arith.addf %mul3A_297, %mul3A_304 : vector<16xf32>
          %add3A_335 = arith.addf %mul3A_311, %mul3A_318 : vector<16xf32>
          %add3A_336 = arith.addf %mul3A_325, %mul3A_332 : vector<16xf32>
          %add3A_337 = arith.addf %add3A_333, %add3A_334 : vector<16xf32>
          %add3A_338 = arith.addf %add3A_335, %add3A_336 : vector<16xf32>
          %add3A_339 = arith.addf %add3A_337, %add3A_338 : vector<16xf32>
          %reduce_sum3A_340 = arith.constant true
          %reduce_sum3A_341 = vector.broadcast %reduce_sum3A_340 : i1 to vector<16xi1>
          %reduce_sum3A_342 = tpu.scan <sum>, %add3A_339 masked %reduce_sum3A_341 : vector<16xf32>, vector<16xi1> -> vector<16xf32>
          %reduce_sum3A_343 = vector.extract %reduce_sum3A_342[15] : f32 from vector<16xf32>
          %eq3A_344 = vector.broadcast %add3A_275 : i32 to vector<16xi32>
          %eq3A_345 = arith.cmpi eq, %iota3A, %eq3A_344 : vector<16xi32>
          %broadcast_in_dim3A_346 = vector.broadcast %reduce_sum3A_343 : f32 to vector<16xf32>
          %select_n3A_347 = arith.select %eq3A_345, %broadcast_in_dim3A_346, %select_n3A : vector<16xi1>, vector<16xf32>
          scf.yield %select_n3A_347 : vector<16xf32>
        }
        %scan3A_186 = arith.constant 16 : i32
        %neg3A = arith.constant 0.000000e+00 : f32
        %neg3A_187 = vector.broadcast %neg3A : f32 to vector<16xf32>
        %neg3A_188 = arith.subf %neg3A_187, %scan3A_185 : vector<16xf32>
        %exp3A = math.exp %neg3A_188 : vector<16xf32>
        %add3A_189 = arith.constant 1.000000e+00 : f32
        %add3A_190 = vector.broadcast %add3A_189 : f32 to vector<16xf32>
        %add3A_191 = arith.addf %add3A_190, %exp3A : vector<16xf32>
        %div3A = arith.constant 1.000000e+00 : f32
        %div3A_192 = vector.broadcast %div3A : f32 to vector<16xf32>
        %div3A_193 = arith.divf %div3A_192, %add3A_191 : vector<16xf32>
        %add3A_194 = arith.addi %mul3A_107, %mul3A_179 : i32
        %swap3A = arith.index_cast %add3A_194 : i32 to index
        %swap3A_195 = tpu.vector_load %arg17[%swap3A] {strides = array<i32>} : memref<10000xf32, #tpu.memory_space<vmem>>, vector<16xf32>,
        tpu.vector_store %arg17[%swap3A], %div3A_193 {strides = array<i32>} : memref<10000xf32, #tpu.memory_space<vmem>>, vector<16xf32>,
      }
      %scan3A_112 = arith.constant 5 : i32
      %add3A_113 = arith.constant 2 : i32
      %add3A_114 = arith.addi %add3A_56, %add3A_113 : i32
      %dma_wait3A_115 = arith.constant 0 : i32
      %dma_wait3A_116 = arith.constant 0 : i32
      %dma_wait3A_117 = tpu.memref_slice %arg2[%dma_wait3A_115, %dma_wait3A_116] : memref<10000x128xf32, #tpu.memory_space<hbm>> -> memref<80x128xf32, #tpu.memory_space<hbm>>
      %dma_wait3A_118 = arith.constant 0 : i32
      %dma_wait3A_119 = arith.constant 0 : i32
      %dma_wait3A_120 = tpu.memref_slice %arg2[%dma_wait3A_118, %dma_wait3A_119] : memref<10000x128xf32, #tpu.memory_space<hbm>> -> memref<80x128xf32, #tpu.memory_space<hbm>>
      tpu.wait_dma2 semaphore(%arg20 : memref<!tpu.dma_semaphore, #tpu.memory_space<semaphore_mem>>) src(%dma_wait3A_120 : memref<80x128xf32, #tpu.memory_space<hbm>>) dst(%arg11 : memref<80x128xf32, #tpu.memory_space<vmem>>)
      %dma_wait3A_121 = arith.constant 0 : i32
      %dma_wait3A_122 = arith.constant 0 : i32
      %dma_wait3A_123 = tpu.memref_slice %arg3[%dma_wait3A_121, %dma_wait3A_122] : memref<10000x128xf32, #tpu.memory_space<hbm>> -> memref<80x128xf32, #tpu.memory_space<hbm>>
      %dma_wait3A_124 = arith.constant 0 : i32
      %dma_wait3A_125 = arith.constant 0 : i32
      %dma_wait3A_126 = tpu.memref_slice %arg3[%dma_wait3A_124, %dma_wait3A_125] : memref<10000x128xf32, #tpu.memory_space<hbm>> -> memref<80x128xf32, #tpu.memory_space<hbm>>
      tpu.wait_dma2 semaphore(%arg20 : memref<!tpu.dma_semaphore, #tpu.memory_space<semaphore_mem>>) src(%dma_wait3A_126 : memref<80x128xf32, #tpu.memory_space<hbm>>) dst(%arg15 : memref<80x128xf32, #tpu.memory_space<vmem>>)
      %add3A_127 = arith.constant 4 : i32
      %add3A_128 = arith.addi %add3A_114, %add3A_127 : i32
      %sub3A_129 = arith.constant 1 : i32
      %sub3A_130 = arith.subi %add3A_128, %sub3A_129 : i32
      %lt3A_131 = arith.constant 125 : i32
      %lt3A_132 = arith.cmpi slt, %sub3A_130, %lt3A_131 : i32
      %convert_element_type3A_133 = arith.extui %lt3A_132 : i1 to i32
      %cond3A_134 = arith.constant 0 : i32
      %cond3A_135 = arith.cmpi ne, %convert_element_type3A_133, %cond3A_134 : i32
      scf.if %cond3A_135 {
        %mul3A_173 = arith.constant 80 : i32
        %mul3A_174 = arith.muli %sub3A_130, %mul3A_173 : i32
        %dma_start3A_175 = tpu.memref_slice %arg7[%mul3A_174] : memref<10000xi32, #tpu.memory_space<vmem>> -> memref<80xi32, #tpu.memory_space<vmem>>
        %dma_start3A_176 = arith.constant 0 : i32
        %dma_start3A_177 = arith.constant 0 : i32
        %dma_start3A_178 = tpu.memref_slice %arg2[%dma_start3A_176, %dma_start3A_177] : memref<10000x128xf32, #tpu.memory_space<hbm>> -> memref<10000x128xf32, #tpu.memory_space<hbm>>
        tpu.enqueue_indirect_dma source(%dma_start3A_178 : memref<10000x128xf32, #tpu.memory_space<hbm>>) target(%arg10 : memref<80x128xf32, #tpu.memory_space<vmem>>) offsets(%dma_start3A_175 : memref<80xi32, #tpu.memory_space<vmem>>) semaphore(%arg19 : memref<!tpu.dma_semaphore, #tpu.memory_space<semaphore_mem>>)
        %dma_start3A_179 = tpu.memref_slice %arg8[%mul3A_174] : memref<10000xi32, #tpu.memory_space<vmem>> -> memref<80xi32, #tpu.memory_space<vmem>>
        %dma_start3A_180 = arith.constant 0 : i32
        %dma_start3A_181 = arith.constant 0 : i32
        %dma_start3A_182 = tpu.memref_slice %arg3[%dma_start3A_180, %dma_start3A_181] : memref<10000x128xf32, #tpu.memory_space<hbm>> -> memref<10000x128xf32, #tpu.memory_space<hbm>>
        tpu.enqueue_indirect_dma source(%dma_start3A_182 : memref<10000x128xf32, #tpu.memory_space<hbm>>) target(%arg14 : memref<80x128xf32, #tpu.memory_space<vmem>>) offsets(%dma_start3A_179 : memref<80xi32, #tpu.memory_space<vmem>>) semaphore(%arg19 : memref<!tpu.dma_semaphore, #tpu.memory_space<semaphore_mem>>)
      } else {
      }
      %mul3A_136 = arith.constant 80 : i32
      %mul3A_137 = arith.muli %add3A_114, %mul3A_136 : i32
      %scan3A_138 = arith.constant 0 : i32
      %scan3A_139 = arith.constant 5 : i32
      %scan3A_140 = arith.addi %scan3A_138, %scan3A_139 : i32
      %scan3A_141 = arith.constant 1 : i32
      scf.for %scan3A_173 = %scan3A_138 to %scan3A_140 step %scan3A_141  : i32 {
        %mul3A_174 = arith.constant 1 : i32
        %mul3A_175 = arith.muli %scan3A_173, %mul3A_174 : i32
        %add3A_176 = arith.constant 0 : i32
        %add3A_177 = arith.addi %add3A_176, %mul3A_175 : i32
        %mul3A_178 = arith.constant 16 : i32
        %mul3A_179 = arith.muli %add3A_177, %mul3A_178 : i32
        %broadcast_in_dim3A = arith.constant 0.000000e+00 : f32
        %broadcast_in_dim3A_180 = vector.broadcast %broadcast_in_dim3A : f32 to vector<16xf32>
        %scan3A_181 = arith.constant 0 : i32
        %scan3A_182 = arith.constant 16 : i32
        %scan3A_183 = arith.addi %scan3A_181, %scan3A_182 : i32
        %scan3A_184 = arith.constant 2 : i32
        %scan3A_185 = scf.for %scan3A_196 = %scan3A_181 to %scan3A_183 step %scan3A_184 iter_args(%scan3A_197 = %broadcast_in_dim3A_180) -> (vector<16xf32>)  : i32 {
          %mul3A_198 = arith.constant 1 : i32
          %mul3A_199 = arith.muli %scan3A_196, %mul3A_198 : i32
          %add3A_200 = arith.constant 0 : i32
          %add3A_201 = arith.addi %add3A_200, %mul3A_199 : i32
          %add3A_202 = arith.addi %mul3A_179, %add3A_201 : i32
          %get3A = arith.index_cast %add3A_202 : i32 to index
          %get3A_203 = arith.constant 0 : index
          %get3A_204 = tpu.vector_load %arg11[%get3A, %get3A_203] {strides = array<i32>} : memref<80x128xf32, #tpu.memory_space<vmem>>, vector<16xf32>,
          %get3A_205 = arith.index_cast %add3A_202 : i32 to index
          %get3A_206 = arith.constant 0 : index
          %get3A_207 = tpu.vector_load %arg15[%get3A_205, %get3A_206] {strides = array<i32>} : memref<80x128xf32, #tpu.memory_space<vmem>>, vector<16xf32>,
          %mul3A_208 = arith.mulf %get3A_204, %get3A_207 : vector<16xf32>
          %get3A_209 = arith.index_cast %add3A_202 : i32 to index
          %get3A_210 = arith.constant 16 : index
          %get3A_211 = tpu.vector_load %arg11[%get3A_209, %get3A_210] {strides = array<i32>} : memref<80x128xf32, #tpu.memory_space<vmem>>, vector<16xf32>,
          %get3A_212 = arith.index_cast %add3A_202 : i32 to index
          %get3A_213 = arith.constant 16 : index
          %get3A_214 = tpu.vector_load %arg15[%get3A_212, %get3A_213] {strides = array<i32>} : memref<80x128xf32, #tpu.memory_space<vmem>>, vector<16xf32>,
          %mul3A_215 = arith.mulf %get3A_211, %get3A_214 : vector<16xf32>
          %get3A_216 = arith.index_cast %add3A_202 : i32 to index
          %get3A_217 = arith.constant 32 : index
          %get3A_218 = tpu.vector_load %arg11[%get3A_216, %get3A_217] {strides = array<i32>} : memref<80x128xf32, #tpu.memory_space<vmem>>, vector<16xf32>,
          %get3A_219 = arith.index_cast %add3A_202 : i32 to index
          %get3A_220 = arith.constant 32 : index
          %get3A_221 = tpu.vector_load %arg15[%get3A_219, %get3A_220] {strides = array<i32>} : memref<80x128xf32, #tpu.memory_space<vmem>>, vector<16xf32>,
          %mul3A_222 = arith.mulf %get3A_218, %get3A_221 : vector<16xf32>
          %get3A_223 = arith.index_cast %add3A_202 : i32 to index
          %get3A_224 = arith.constant 48 : index
          %get3A_225 = tpu.vector_load %arg11[%get3A_223, %get3A_224] {strides = array<i32>} : memref<80x128xf32, #tpu.memory_space<vmem>>, vector<16xf32>,
          %get3A_226 = arith.index_cast %add3A_202 : i32 to index
          %get3A_227 = arith.constant 48 : index
          %get3A_228 = tpu.vector_load %arg15[%get3A_226, %get3A_227] {strides = array<i32>} : memref<80x128xf32, #tpu.memory_space<vmem>>, vector<16xf32>,
          %mul3A_229 = arith.mulf %get3A_225, %get3A_228 : vector<16xf32>
          %get3A_230 = arith.index_cast %add3A_202 : i32 to index
          %get3A_231 = arith.constant 64 : index
          %get3A_232 = tpu.vector_load %arg11[%get3A_230, %get3A_231] {strides = array<i32>} : memref<80x128xf32, #tpu.memory_space<vmem>>, vector<16xf32>,
          %get3A_233 = arith.index_cast %add3A_202 : i32 to index
          %get3A_234 = arith.constant 64 : index
          %get3A_235 = tpu.vector_load %arg15[%get3A_233, %get3A_234] {strides = array<i32>} : memref<80x128xf32, #tpu.memory_space<vmem>>, vector<16xf32>,
          %mul3A_236 = arith.mulf %get3A_232, %get3A_235 : vector<16xf32>
          %get3A_237 = arith.index_cast %add3A_202 : i32 to index
          %get3A_238 = arith.constant 80 : index
          %get3A_239 = tpu.vector_load %arg11[%get3A_237, %get3A_238] {strides = array<i32>} : memref<80x128xf32, #tpu.memory_space<vmem>>, vector<16xf32>,
          %get3A_240 = arith.index_cast %add3A_202 : i32 to index
          %get3A_241 = arith.constant 80 : index
          %get3A_242 = tpu.vector_load %arg15[%get3A_240, %get3A_241] {strides = array<i32>} : memref<80x128xf32, #tpu.memory_space<vmem>>, vector<16xf32>,
          %mul3A_243 = arith.mulf %get3A_239, %get3A_242 : vector<16xf32>
          %get3A_244 = arith.index_cast %add3A_202 : i32 to index
          %get3A_245 = arith.constant 96 : index
          %get3A_246 = tpu.vector_load %arg11[%get3A_244, %get3A_245] {strides = array<i32>} : memref<80x128xf32, #tpu.memory_space<vmem>>, vector<16xf32>,
          %get3A_247 = arith.index_cast %add3A_202 : i32 to index
          %get3A_248 = arith.constant 96 : index
          %get3A_249 = tpu.vector_load %arg15[%get3A_247, %get3A_248] {strides = array<i32>} : memref<80x128xf32, #tpu.memory_space<vmem>>, vector<16xf32>,
          %mul3A_250 = arith.mulf %get3A_246, %get3A_249 : vector<16xf32>
          %get3A_251 = arith.index_cast %add3A_202 : i32 to index
          %get3A_252 = arith.constant 112 : index
          %get3A_253 = tpu.vector_load %arg11[%get3A_251, %get3A_252] {strides = array<i32>} : memref<80x128xf32, #tpu.memory_space<vmem>>, vector<16xf32>,
          %get3A_254 = arith.index_cast %add3A_202 : i32 to index
          %get3A_255 = arith.constant 112 : index
          %get3A_256 = tpu.vector_load %arg15[%get3A_254, %get3A_255] {strides = array<i32>} : memref<80x128xf32, #tpu.memory_space<vmem>>, vector<16xf32>,
          %mul3A_257 = arith.mulf %get3A_253, %get3A_256 : vector<16xf32>
          %add3A_258 = arith.addf %mul3A_208, %mul3A_215 : vector<16xf32>
          %add3A_259 = arith.addf %mul3A_222, %mul3A_229 : vector<16xf32>
          %add3A_260 = arith.addf %mul3A_236, %mul3A_243 : vector<16xf32>
          %add3A_261 = arith.addf %mul3A_250, %mul3A_257 : vector<16xf32>
          %add3A_262 = arith.addf %add3A_258, %add3A_259 : vector<16xf32>
          %add3A_263 = arith.addf %add3A_260, %add3A_261 : vector<16xf32>
          %add3A_264 = arith.addf %add3A_262, %add3A_263 : vector<16xf32>
          %reduce_sum3A = arith.constant true
          %reduce_sum3A_265 = vector.broadcast %reduce_sum3A : i1 to vector<16xi1>
          %reduce_sum3A_266 = tpu.scan <sum>, %add3A_264 masked %reduce_sum3A_265 : vector<16xf32>, vector<16xi1> -> vector<16xf32>
          %reduce_sum3A_267 = vector.extract %reduce_sum3A_266[15] : f32 from vector<16xf32>
          %eq3A = vector.broadcast %add3A_201 : i32 to vector<16xi32>
          %eq3A_268 = arith.cmpi eq, %iota3A, %eq3A : vector<16xi32>
          %broadcast_in_dim3A_269 = vector.broadcast %reduce_sum3A_267 : f32 to vector<16xf32>
          %select_n3A = arith.select %eq3A_268, %broadcast_in_dim3A_269, %scan3A_197 : vector<16xi1>, vector<16xf32>
          %scan3A_270 = arith.constant 1 : i32
          %scan3A_271 = arith.addi %scan3A_196, %scan3A_270 : i32
          %mul3A_272 = arith.constant 1 : i32
          %mul3A_273 = arith.muli %scan3A_271, %mul3A_272 : i32
          %add3A_274 = arith.constant 0 : i32
          %add3A_275 = arith.addi %add3A_274, %mul3A_273 : i32
          %add3A_276 = arith.addi %mul3A_179, %add3A_275 : i32
          %get3A_277 = arith.index_cast %add3A_276 : i32 to index
          %get3A_278 = arith.constant 0 : index
          %get3A_279 = tpu.vector_load %arg11[%get3A_277, %get3A_278] {strides = array<i32>} : memref<80x128xf32, #tpu.memory_space<vmem>>, vector<16xf32>,
          %get3A_280 = arith.index_cast %add3A_276 : i32 to index
          %get3A_281 = arith.constant 0 : index
          %get3A_282 = tpu.vector_load %arg15[%get3A_280, %get3A_281] {strides = array<i32>} : memref<80x128xf32, #tpu.memory_space<vmem>>, vector<16xf32>,
          %mul3A_283 = arith.mulf %get3A_279, %get3A_282 : vector<16xf32>
          %get3A_284 = arith.index_cast %add3A_276 : i32 to index
          %get3A_285 = arith.constant 16 : index
          %get3A_286 = tpu.vector_load %arg11[%get3A_284, %get3A_285] {strides = array<i32>} : memref<80x128xf32, #tpu.memory_space<vmem>>, vector<16xf32>,
          %get3A_287 = arith.index_cast %add3A_276 : i32 to index
          %get3A_288 = arith.constant 16 : index
          %get3A_289 = tpu.vector_load %arg15[%get3A_287, %get3A_288] {strides = array<i32>} : memref<80x128xf32, #tpu.memory_space<vmem>>, vector<16xf32>,
          %mul3A_290 = arith.mulf %get3A_286, %get3A_289 : vector<16xf32>
          %get3A_291 = arith.index_cast %add3A_276 : i32 to index
          %get3A_292 = arith.constant 32 : index
          %get3A_293 = tpu.vector_load %arg11[%get3A_291, %get3A_292] {strides = array<i32>} : memref<80x128xf32, #tpu.memory_space<vmem>>, vector<16xf32>,
          %get3A_294 = arith.index_cast %add3A_276 : i32 to index
          %get3A_295 = arith.constant 32 : index
          %get3A_296 = tpu.vector_load %arg15[%get3A_294, %get3A_295] {strides = array<i32>} : memref<80x128xf32, #tpu.memory_space<vmem>>, vector<16xf32>,
          %mul3A_297 = arith.mulf %get3A_293, %get3A_296 : vector<16xf32>
          %get3A_298 = arith.index_cast %add3A_276 : i32 to index
          %get3A_299 = arith.constant 48 : index
          %get3A_300 = tpu.vector_load %arg11[%get3A_298, %get3A_299] {strides = array<i32>} : memref<80x128xf32, #tpu.memory_space<vmem>>, vector<16xf32>,
          %get3A_301 = arith.index_cast %add3A_276 : i32 to index
          %get3A_302 = arith.constant 48 : index
          %get3A_303 = tpu.vector_load %arg15[%get3A_301, %get3A_302] {strides = array<i32>} : memref<80x128xf32, #tpu.memory_space<vmem>>, vector<16xf32>,
          %mul3A_304 = arith.mulf %get3A_300, %get3A_303 : vector<16xf32>
          %get3A_305 = arith.index_cast %add3A_276 : i32 to index
          %get3A_306 = arith.constant 64 : index
          %get3A_307 = tpu.vector_load %arg11[%get3A_305, %get3A_306] {strides = array<i32>} : memref<80x128xf32, #tpu.memory_space<vmem>>, vector<16xf32>,
          %get3A_308 = arith.index_cast %add3A_276 : i32 to index
          %get3A_309 = arith.constant 64 : index
          %get3A_310 = tpu.vector_load %arg15[%get3A_308, %get3A_309] {strides = array<i32>} : memref<80x128xf32, #tpu.memory_space<vmem>>, vector<16xf32>,
          %mul3A_311 = arith.mulf %get3A_307, %get3A_310 : vector<16xf32>
          %get3A_312 = arith.index_cast %add3A_276 : i32 to index
          %get3A_313 = arith.constant 80 : index
          %get3A_314 = tpu.vector_load %arg11[%get3A_312, %get3A_313] {strides = array<i32>} : memref<80x128xf32, #tpu.memory_space<vmem>>, vector<16xf32>,
          %get3A_315 = arith.index_cast %add3A_276 : i32 to index
          %get3A_316 = arith.constant 80 : index
          %get3A_317 = tpu.vector_load %arg15[%get3A_315, %get3A_316] {strides = array<i32>} : memref<80x128xf32, #tpu.memory_space<vmem>>, vector<16xf32>,
          %mul3A_318 = arith.mulf %get3A_314, %get3A_317 : vector<16xf32>
          %get3A_319 = arith.index_cast %add3A_276 : i32 to index
          %get3A_320 = arith.constant 96 : index
          %get3A_321 = tpu.vector_load %arg11[%get3A_319, %get3A_320] {strides = array<i32>} : memref<80x128xf32, #tpu.memory_space<vmem>>, vector<16xf32>,
          %get3A_322 = arith.index_cast %add3A_276 : i32 to index
          %get3A_323 = arith.constant 96 : index
          %get3A_324 = tpu.vector_load %arg15[%get3A_322, %get3A_323] {strides = array<i32>} : memref<80x128xf32, #tpu.memory_space<vmem>>, vector<16xf32>,
          %mul3A_325 = arith.mulf %get3A_321, %get3A_324 : vector<16xf32>
          %get3A_326 = arith.index_cast %add3A_276 : i32 to index
          %get3A_327 = arith.constant 112 : index
          %get3A_328 = tpu.vector_load %arg11[%get3A_326, %get3A_327] {strides = array<i32>} : memref<80x128xf32, #tpu.memory_space<vmem>>, vector<16xf32>,
          %get3A_329 = arith.index_cast %add3A_276 : i32 to index
          %get3A_330 = arith.constant 112 : index
          %get3A_331 = tpu.vector_load %arg15[%get3A_329, %get3A_330] {strides = array<i32>} : memref<80x128xf32, #tpu.memory_space<vmem>>, vector<16xf32>,
          %mul3A_332 = arith.mulf %get3A_328, %get3A_331 : vector<16xf32>
          %add3A_333 = arith.addf %mul3A_283, %mul3A_290 : vector<16xf32>
          %add3A_334 = arith.addf %mul3A_297, %mul3A_304 : vector<16xf32>
          %add3A_335 = arith.addf %mul3A_311, %mul3A_318 : vector<16xf32>
          %add3A_336 = arith.addf %mul3A_325, %mul3A_332 : vector<16xf32>
          %add3A_337 = arith.addf %add3A_333, %add3A_334 : vector<16xf32>
          %add3A_338 = arith.addf %add3A_335, %add3A_336 : vector<16xf32>
          %add3A_339 = arith.addf %add3A_337, %add3A_338 : vector<16xf32>
          %reduce_sum3A_340 = arith.constant true
          %reduce_sum3A_341 = vector.broadcast %reduce_sum3A_340 : i1 to vector<16xi1>
          %reduce_sum3A_342 = tpu.scan <sum>, %add3A_339 masked %reduce_sum3A_341 : vector<16xf32>, vector<16xi1> -> vector<16xf32>
          %reduce_sum3A_343 = vector.extract %reduce_sum3A_342[15] : f32 from vector<16xf32>
          %eq3A_344 = vector.broadcast %add3A_275 : i32 to vector<16xi32>
          %eq3A_345 = arith.cmpi eq, %iota3A, %eq3A_344 : vector<16xi32>
          %broadcast_in_dim3A_346 = vector.broadcast %reduce_sum3A_343 : f32 to vector<16xf32>
          %select_n3A_347 = arith.select %eq3A_345, %broadcast_in_dim3A_346, %select_n3A : vector<16xi1>, vector<16xf32>
          scf.yield %select_n3A_347 : vector<16xf32>
        }
        %scan3A_186 = arith.constant 16 : i32
        %neg3A = arith.constant 0.000000e+00 : f32
        %neg3A_187 = vector.broadcast %neg3A : f32 to vector<16xf32>
        %neg3A_188 = arith.subf %neg3A_187, %scan3A_185 : vector<16xf32>
        %exp3A = math.exp %neg3A_188 : vector<16xf32>
        %add3A_189 = arith.constant 1.000000e+00 : f32
        %add3A_190 = vector.broadcast %add3A_189 : f32 to vector<16xf32>
        %add3A_191 = arith.addf %add3A_190, %exp3A : vector<16xf32>
        %div3A = arith.constant 1.000000e+00 : f32
        %div3A_192 = vector.broadcast %div3A : f32 to vector<16xf32>
        %div3A_193 = arith.divf %div3A_192, %add3A_191 : vector<16xf32>
        %add3A_194 = arith.addi %mul3A_137, %mul3A_179 : i32
        %swap3A = arith.index_cast %add3A_194 : i32 to index
        %swap3A_195 = tpu.vector_load %arg17[%swap3A] {strides = array<i32>} : memref<10000xf32, #tpu.memory_space<vmem>>, vector<16xf32>,
        tpu.vector_store %arg17[%swap3A], %div3A_193 {strides = array<i32>} : memref<10000xf32, #tpu.memory_space<vmem>>, vector<16xf32>,
      }
      %scan3A_142 = arith.constant 5 : i32
      %add3A_143 = arith.constant 3 : i32
      %add3A_144 = arith.addi %add3A_56, %add3A_143 : i32
      %dma_wait3A_145 = arith.constant 0 : i32
      %dma_wait3A_146 = arith.constant 0 : i32
      %dma_wait3A_147 = tpu.memref_slice %arg2[%dma_wait3A_145, %dma_wait3A_146] : memref<10000x128xf32, #tpu.memory_space<hbm>> -> memref<80x128xf32, #tpu.memory_space<hbm>>
      %dma_wait3A_148 = arith.constant 0 : i32
      %dma_wait3A_149 = arith.constant 0 : i32
      %dma_wait3A_150 = tpu.memref_slice %arg2[%dma_wait3A_148, %dma_wait3A_149] : memref<10000x128xf32, #tpu.memory_space<hbm>> -> memref<80x128xf32, #tpu.memory_space<hbm>>
      tpu.wait_dma2 semaphore(%arg21 : memref<!tpu.dma_semaphore, #tpu.memory_space<semaphore_mem>>) src(%dma_wait3A_150 : memref<80x128xf32, #tpu.memory_space<hbm>>) dst(%arg12 : memref<80x128xf32, #tpu.memory_space<vmem>>)
      %dma_wait3A_151 = arith.constant 0 : i32
      %dma_wait3A_152 = arith.constant 0 : i32
      %dma_wait3A_153 = tpu.memref_slice %arg3[%dma_wait3A_151, %dma_wait3A_152] : memref<10000x128xf32, #tpu.memory_space<hbm>> -> memref<80x128xf32, #tpu.memory_space<hbm>>
      %dma_wait3A_154 = arith.constant 0 : i32
      %dma_wait3A_155 = arith.constant 0 : i32
      %dma_wait3A_156 = tpu.memref_slice %arg3[%dma_wait3A_154, %dma_wait3A_155] : memref<10000x128xf32, #tpu.memory_space<hbm>> -> memref<80x128xf32, #tpu.memory_space<hbm>>
      tpu.wait_dma2 semaphore(%arg21 : memref<!tpu.dma_semaphore, #tpu.memory_space<semaphore_mem>>) src(%dma_wait3A_156 : memref<80x128xf32, #tpu.memory_space<hbm>>) dst(%arg16 : memref<80x128xf32, #tpu.memory_space<vmem>>)
      %add3A_157 = arith.constant 4 : i32
      %add3A_158 = arith.addi %add3A_144, %add3A_157 : i32
      %sub3A_159 = arith.constant 1 : i32
      %sub3A_160 = arith.subi %add3A_158, %sub3A_159 : i32
      %lt3A_161 = arith.constant 125 : i32
      %lt3A_162 = arith.cmpi slt, %sub3A_160, %lt3A_161 : i32
      %convert_element_type3A_163 = arith.extui %lt3A_162 : i1 to i32
      %cond3A_164 = arith.constant 0 : i32
      %cond3A_165 = arith.cmpi ne, %convert_element_type3A_163, %cond3A_164 : i32
      scf.if %cond3A_165 {
        %mul3A_173 = arith.constant 80 : i32
        %mul3A_174 = arith.muli %sub3A_160, %mul3A_173 : i32
        %dma_start3A_175 = tpu.memref_slice %arg7[%mul3A_174] : memref<10000xi32, #tpu.memory_space<vmem>> -> memref<80xi32, #tpu.memory_space<vmem>>
        %dma_start3A_176 = arith.constant 0 : i32
        %dma_start3A_177 = arith.constant 0 : i32
        %dma_start3A_178 = tpu.memref_slice %arg2[%dma_start3A_176, %dma_start3A_177] : memref<10000x128xf32, #tpu.memory_space<hbm>> -> memref<10000x128xf32, #tpu.memory_space<hbm>>
        tpu.enqueue_indirect_dma source(%dma_start3A_178 : memref<10000x128xf32, #tpu.memory_space<hbm>>) target(%arg11 : memref<80x128xf32, #tpu.memory_space<vmem>>) offsets(%dma_start3A_175 : memref<80xi32, #tpu.memory_space<vmem>>) semaphore(%arg20 : memref<!tpu.dma_semaphore, #tpu.memory_space<semaphore_mem>>)
        %dma_start3A_179 = tpu.memref_slice %arg8[%mul3A_174] : memref<10000xi32, #tpu.memory_space<vmem>> -> memref<80xi32, #tpu.memory_space<vmem>>
        %dma_start3A_180 = arith.constant 0 : i32
        %dma_start3A_181 = arith.constant 0 : i32
        %dma_start3A_182 = tpu.memref_slice %arg3[%dma_start3A_180, %dma_start3A_181] : memref<10000x128xf32, #tpu.memory_space<hbm>> -> memref<10000x128xf32, #tpu.memory_space<hbm>>
        tpu.enqueue_indirect_dma source(%dma_start3A_182 : memref<10000x128xf32, #tpu.memory_space<hbm>>) target(%arg15 : memref<80x128xf32, #tpu.memory_space<vmem>>) offsets(%dma_start3A_179 : memref<80xi32, #tpu.memory_space<vmem>>) semaphore(%arg20 : memref<!tpu.dma_semaphore, #tpu.memory_space<semaphore_mem>>)
      } else {
      }
      %mul3A_166 = arith.constant 80 : i32
      %mul3A_167 = arith.muli %add3A_144, %mul3A_166 : i32
      %scan3A_168 = arith.constant 0 : i32
      %scan3A_169 = arith.constant 5 : i32
      %scan3A_170 = arith.addi %scan3A_168, %scan3A_169 : i32
      %scan3A_171 = arith.constant 1 : i32
      scf.for %scan3A_173 = %scan3A_168 to %scan3A_170 step %scan3A_171  : i32 {
        %mul3A_174 = arith.constant 1 : i32
        %mul3A_175 = arith.muli %scan3A_173, %mul3A_174 : i32
        %add3A_176 = arith.constant 0 : i32
        %add3A_177 = arith.addi %add3A_176, %mul3A_175 : i32
        %mul3A_178 = arith.constant 16 : i32
        %mul3A_179 = arith.muli %add3A_177, %mul3A_178 : i32
        %broadcast_in_dim3A = arith.constant 0.000000e+00 : f32
        %broadcast_in_dim3A_180 = vector.broadcast %broadcast_in_dim3A : f32 to vector<16xf32>
        %scan3A_181 = arith.constant 0 : i32
        %scan3A_182 = arith.constant 16 : i32
        %scan3A_183 = arith.addi %scan3A_181, %scan3A_182 : i32
        %scan3A_184 = arith.constant 2 : i32
        %scan3A_185 = scf.for %scan3A_196 = %scan3A_181 to %scan3A_183 step %scan3A_184 iter_args(%scan3A_197 = %broadcast_in_dim3A_180) -> (vector<16xf32>)  : i32 {
          %mul3A_198 = arith.constant 1 : i32
          %mul3A_199 = arith.muli %scan3A_196, %mul3A_198 : i32
          %add3A_200 = arith.constant 0 : i32
          %add3A_201 = arith.addi %add3A_200, %mul3A_199 : i32
          %add3A_202 = arith.addi %mul3A_179, %add3A_201 : i32
          %get3A = arith.index_cast %add3A_202 : i32 to index
          %get3A_203 = arith.constant 0 : index
          %get3A_204 = tpu.vector_load %arg12[%get3A, %get3A_203] {strides = array<i32>} : memref<80x128xf32, #tpu.memory_space<vmem>>, vector<16xf32>,
          %get3A_205 = arith.index_cast %add3A_202 : i32 to index
          %get3A_206 = arith.constant 0 : index
          %get3A_207 = tpu.vector_load %arg16[%get3A_205, %get3A_206] {strides = array<i32>} : memref<80x128xf32, #tpu.memory_space<vmem>>, vector<16xf32>,
          %mul3A_208 = arith.mulf %get3A_204, %get3A_207 : vector<16xf32>
          %get3A_209 = arith.index_cast %add3A_202 : i32 to index
          %get3A_210 = arith.constant 16 : index
          %get3A_211 = tpu.vector_load %arg12[%get3A_209, %get3A_210] {strides = array<i32>} : memref<80x128xf32, #tpu.memory_space<vmem>>, vector<16xf32>,
          %get3A_212 = arith.index_cast %add3A_202 : i32 to index
          %get3A_213 = arith.constant 16 : index
          %get3A_214 = tpu.vector_load %arg16[%get3A_212, %get3A_213] {strides = array<i32>} : memref<80x128xf32, #tpu.memory_space<vmem>>, vector<16xf32>,
          %mul3A_215 = arith.mulf %get3A_211, %get3A_214 : vector<16xf32>
          %get3A_216 = arith.index_cast %add3A_202 : i32 to index
          %get3A_217 = arith.constant 32 : index
          %get3A_218 = tpu.vector_load %arg12[%get3A_216, %get3A_217] {strides = array<i32>} : memref<80x128xf32, #tpu.memory_space<vmem>>, vector<16xf32>,
          %get3A_219 = arith.index_cast %add3A_202 : i32 to index
          %get3A_220 = arith.constant 32 : index
          %get3A_221 = tpu.vector_load %arg16[%get3A_219, %get3A_220] {strides = array<i32>} : memref<80x128xf32, #tpu.memory_space<vmem>>, vector<16xf32>,
          %mul3A_222 = arith.mulf %get3A_218, %get3A_221 : vector<16xf32>
          %get3A_223 = arith.index_cast %add3A_202 : i32 to index
          %get3A_224 = arith.constant 48 : index
          %get3A_225 = tpu.vector_load %arg12[%get3A_223, %get3A_224] {strides = array<i32>} : memref<80x128xf32, #tpu.memory_space<vmem>>, vector<16xf32>,
          %get3A_226 = arith.index_cast %add3A_202 : i32 to index
          %get3A_227 = arith.constant 48 : index
          %get3A_228 = tpu.vector_load %arg16[%get3A_226, %get3A_227] {strides = array<i32>} : memref<80x128xf32, #tpu.memory_space<vmem>>, vector<16xf32>,
          %mul3A_229 = arith.mulf %get3A_225, %get3A_228 : vector<16xf32>
          %get3A_230 = arith.index_cast %add3A_202 : i32 to index
          %get3A_231 = arith.constant 64 : index
          %get3A_232 = tpu.vector_load %arg12[%get3A_230, %get3A_231] {strides = array<i32>} : memref<80x128xf32, #tpu.memory_space<vmem>>, vector<16xf32>,
          %get3A_233 = arith.index_cast %add3A_202 : i32 to index
          %get3A_234 = arith.constant 64 : index
          %get3A_235 = tpu.vector_load %arg16[%get3A_233, %get3A_234] {strides = array<i32>} : memref<80x128xf32, #tpu.memory_space<vmem>>, vector<16xf32>,
          %mul3A_236 = arith.mulf %get3A_232, %get3A_235 : vector<16xf32>
          %get3A_237 = arith.index_cast %add3A_202 : i32 to index
          %get3A_238 = arith.constant 80 : index
          %get3A_239 = tpu.vector_load %arg12[%get3A_237, %get3A_238] {strides = array<i32>} : memref<80x128xf32, #tpu.memory_space<vmem>>, vector<16xf32>,
          %get3A_240 = arith.index_cast %add3A_202 : i32 to index
          %get3A_241 = arith.constant 80 : index
          %get3A_242 = tpu.vector_load %arg16[%get3A_240, %get3A_241] {strides = array<i32>} : memref<80x128xf32, #tpu.memory_space<vmem>>, vector<16xf32>,
          %mul3A_243 = arith.mulf %get3A_239, %get3A_242 : vector<16xf32>
          %get3A_244 = arith.index_cast %add3A_202 : i32 to index
          %get3A_245 = arith.constant 96 : index
          %get3A_246 = tpu.vector_load %arg12[%get3A_244, %get3A_245] {strides = array<i32>} : memref<80x128xf32, #tpu.memory_space<vmem>>, vector<16xf32>,
          %get3A_247 = arith.index_cast %add3A_202 : i32 to index
          %get3A_248 = arith.constant 96 : index
          %get3A_249 = tpu.vector_load %arg16[%get3A_247, %get3A_248] {strides = array<i32>} : memref<80x128xf32, #tpu.memory_space<vmem>>, vector<16xf32>,
          %mul3A_250 = arith.mulf %get3A_246, %get3A_249 : vector<16xf32>
          %get3A_251 = arith.index_cast %add3A_202 : i32 to index
          %get3A_252 = arith.constant 112 : index
          %get3A_253 = tpu.vector_load %arg12[%get3A_251, %get3A_252] {strides = array<i32>} : memref<80x128xf32, #tpu.memory_space<vmem>>, vector<16xf32>,
          %get3A_254 = arith.index_cast %add3A_202 : i32 to index
          %get3A_255 = arith.constant 112 : index
          %get3A_256 = tpu.vector_load %arg16[%get3A_254, %get3A_255] {strides = array<i32>} : memref<80x128xf32, #tpu.memory_space<vmem>>, vector<16xf32>,
          %mul3A_257 = arith.mulf %get3A_253, %get3A_256 : vector<16xf32>
          %add3A_258 = arith.addf %mul3A_208, %mul3A_215 : vector<16xf32>
          %add3A_259 = arith.addf %mul3A_222, %mul3A_229 : vector<16xf32>
          %add3A_260 = arith.addf %mul3A_236, %mul3A_243 : vector<16xf32>
          %add3A_261 = arith.addf %mul3A_250, %mul3A_257 : vector<16xf32>
          %add3A_262 = arith.addf %add3A_258, %add3A_259 : vector<16xf32>
          %add3A_263 = arith.addf %add3A_260, %add3A_261 : vector<16xf32>
          %add3A_264 = arith.addf %add3A_262, %add3A_263 : vector<16xf32>
          %reduce_sum3A = arith.constant true
          %reduce_sum3A_265 = vector.broadcast %reduce_sum3A : i1 to vector<16xi1>
          %reduce_sum3A_266 = tpu.scan <sum>, %add3A_264 masked %reduce_sum3A_265 : vector<16xf32>, vector<16xi1> -> vector<16xf32>
          %reduce_sum3A_267 = vector.extract %reduce_sum3A_266[15] : f32 from vector<16xf32>
          %eq3A = vector.broadcast %add3A_201 : i32 to vector<16xi32>
          %eq3A_268 = arith.cmpi eq, %iota3A, %eq3A : vector<16xi32>
          %broadcast_in_dim3A_269 = vector.broadcast %reduce_sum3A_267 : f32 to vector<16xf32>
          %select_n3A = arith.select %eq3A_268, %broadcast_in_dim3A_269, %scan3A_197 : vector<16xi1>, vector<16xf32>
          %scan3A_270 = arith.constant 1 : i32
          %scan3A_271 = arith.addi %scan3A_196, %scan3A_270 : i32
          %mul3A_272 = arith.constant 1 : i32
          %mul3A_273 = arith.muli %scan3A_271, %mul3A_272 : i32
          %add3A_274 = arith.constant 0 : i32
          %add3A_275 = arith.addi %add3A_274, %mul3A_273 : i32
          %add3A_276 = arith.addi %mul3A_179, %add3A_275 : i32
          %get3A_277 = arith.index_cast %add3A_276 : i32 to index
          %get3A_278 = arith.constant 0 : index
          %get3A_279 = tpu.vector_load %arg12[%get3A_277, %get3A_278] {strides = array<i32>} : memref<80x128xf32, #tpu.memory_space<vmem>>, vector<16xf32>,
          %get3A_280 = arith.index_cast %add3A_276 : i32 to index
          %get3A_281 = arith.constant 0 : index
          %get3A_282 = tpu.vector_load %arg16[%get3A_280, %get3A_281] {strides = array<i32>} : memref<80x128xf32, #tpu.memory_space<vmem>>, vector<16xf32>,
          %mul3A_283 = arith.mulf %get3A_279, %get3A_282 : vector<16xf32>
          %get3A_284 = arith.index_cast %add3A_276 : i32 to index
          %get3A_285 = arith.constant 16 : index
          %get3A_286 = tpu.vector_load %arg12[%get3A_284, %get3A_285] {strides = array<i32>} : memref<80x128xf32, #tpu.memory_space<vmem>>, vector<16xf32>,
          %get3A_287 = arith.index_cast %add3A_276 : i32 to index
          %get3A_288 = arith.constant 16 : index
          %get3A_289 = tpu.vector_load %arg16[%get3A_287, %get3A_288] {strides = array<i32>} : memref<80x128xf32, #tpu.memory_space<vmem>>, vector<16xf32>,
          %mul3A_290 = arith.mulf %get3A_286, %get3A_289 : vector<16xf32>
          %get3A_291 = arith.index_cast %add3A_276 : i32 to index
          %get3A_292 = arith.constant 32 : index
          %get3A_293 = tpu.vector_load %arg12[%get3A_291, %get3A_292] {strides = array<i32>} : memref<80x128xf32, #tpu.memory_space<vmem>>, vector<16xf32>,
          %get3A_294 = arith.index_cast %add3A_276 : i32 to index
          %get3A_295 = arith.constant 32 : index
          %get3A_296 = tpu.vector_load %arg16[%get3A_294, %get3A_295] {strides = array<i32>} : memref<80x128xf32, #tpu.memory_space<vmem>>, vector<16xf32>,
          %mul3A_297 = arith.mulf %get3A_293, %get3A_296 : vector<16xf32>
          %get3A_298 = arith.index_cast %add3A_276 : i32 to index
          %get3A_299 = arith.constant 48 : index
          %get3A_300 = tpu.vector_load %arg12[%get3A_298, %get3A_299] {strides = array<i32>} : memref<80x128xf32, #tpu.memory_space<vmem>>, vector<16xf32>,
          %get3A_301 = arith.index_cast %add3A_276 : i32 to index
          %get3A_302 = arith.constant 48 : index
          %get3A_303 = tpu.vector_load %arg16[%get3A_301, %get3A_302] {strides = array<i32>} : memref<80x128xf32, #tpu.memory_space<vmem>>, vector<16xf32>,
          %mul3A_304 = arith.mulf %get3A_300, %get3A_303 : vector<16xf32>
          %get3A_305 = arith.index_cast %add3A_276 : i32 to index
          %get3A_306 = arith.constant 64 : index
          %get3A_307 = tpu.vector_load %arg12[%get3A_305, %get3A_306] {strides = array<i32>} : memref<80x128xf32, #tpu.memory_space<vmem>>, vector<16xf32>,
          %get3A_308 = arith.index_cast %add3A_276 : i32 to index
          %get3A_309 = arith.constant 64 : index
          %get3A_310 = tpu.vector_load %arg16[%get3A_308, %get3A_309] {strides = array<i32>} : memref<80x128xf32, #tpu.memory_space<vmem>>, vector<16xf32>,
          %mul3A_311 = arith.mulf %get3A_307, %get3A_310 : vector<16xf32>
          %get3A_312 = arith.index_cast %add3A_276 : i32 to index
          %get3A_313 = arith.constant 80 : index
          %get3A_314 = tpu.vector_load %arg12[%get3A_312, %get3A_313] {strides = array<i32>} : memref<80x128xf32, #tpu.memory_space<vmem>>, vector<16xf32>,
          %get3A_315 = arith.index_cast %add3A_276 : i32 to index
          %get3A_316 = arith.constant 80 : index
          %get3A_317 = tpu.vector_load %arg16[%get3A_315, %get3A_316] {strides = array<i32>} : memref<80x128xf32, #tpu.memory_space<vmem>>, vector<16xf32>,
          %mul3A_318 = arith.mulf %get3A_314, %get3A_317 : vector<16xf32>
          %get3A_319 = arith.index_cast %add3A_276 : i32 to index
          %get3A_320 = arith.constant 96 : index
          %get3A_321 = tpu.vector_load %arg12[%get3A_319, %get3A_320] {strides = array<i32>} : memref<80x128xf32, #tpu.memory_space<vmem>>, vector<16xf32>,
          %get3A_322 = arith.index_cast %add3A_276 : i32 to index
          %get3A_323 = arith.constant 96 : index
          %get3A_324 = tpu.vector_load %arg16[%get3A_322, %get3A_323] {strides = array<i32>} : memref<80x128xf32, #tpu.memory_space<vmem>>, vector<16xf32>,
          %mul3A_325 = arith.mulf %get3A_321, %get3A_324 : vector<16xf32>
          %get3A_326 = arith.index_cast %add3A_276 : i32 to index
          %get3A_327 = arith.constant 112 : index
          %get3A_328 = tpu.vector_load %arg12[%get3A_326, %get3A_327] {strides = array<i32>} : memref<80x128xf32, #tpu.memory_space<vmem>>, vector<16xf32>,
          %get3A_329 = arith.index_cast %add3A_276 : i32 to index
          %get3A_330 = arith.constant 112 : index
          %get3A_331 = tpu.vector_load %arg16[%get3A_329, %get3A_330] {strides = array<i32>} : memref<80x128xf32, #tpu.memory_space<vmem>>, vector<16xf32>,
          %mul3A_332 = arith.mulf %get3A_328, %get3A_331 : vector<16xf32>
          %add3A_333 = arith.addf %mul3A_283, %mul3A_290 : vector<16xf32>
          %add3A_334 = arith.addf %mul3A_297, %mul3A_304 : vector<16xf32>
          %add3A_335 = arith.addf %mul3A_311, %mul3A_318 : vector<16xf32>
          %add3A_336 = arith.addf %mul3A_325, %mul3A_332 : vector<16xf32>
          %add3A_337 = arith.addf %add3A_333, %add3A_334 : vector<16xf32>
          %add3A_338 = arith.addf %add3A_335, %add3A_336 : vector<16xf32>
          %add3A_339 = arith.addf %add3A_337, %add3A_338 : vector<16xf32>
          %reduce_sum3A_340 = arith.constant true
          %reduce_sum3A_341 = vector.broadcast %reduce_sum3A_340 : i1 to vector<16xi1>
          %reduce_sum3A_342 = tpu.scan <sum>, %add3A_339 masked %reduce_sum3A_341 : vector<16xf32>, vector<16xi1> -> vector<16xf32>
          %reduce_sum3A_343 = vector.extract %reduce_sum3A_342[15] : f32 from vector<16xf32>
          %eq3A_344 = vector.broadcast %add3A_275 : i32 to vector<16xi32>
          %eq3A_345 = arith.cmpi eq, %iota3A, %eq3A_344 : vector<16xi32>
          %broadcast_in_dim3A_346 = vector.broadcast %reduce_sum3A_343 : f32 to vector<16xf32>
          %select_n3A_347 = arith.select %eq3A_345, %broadcast_in_dim3A_346, %select_n3A : vector<16xi1>, vector<16xf32>
          scf.yield %select_n3A_347 : vector<16xf32>
        }
        %scan3A_186 = arith.constant 16 : i32
        %neg3A = arith.constant 0.000000e+00 : f32
        %neg3A_187 = vector.broadcast %neg3A : f32 to vector<16xf32>
        %neg3A_188 = arith.subf %neg3A_187, %scan3A_185 : vector<16xf32>
        %exp3A = math.exp %neg3A_188 : vector<16xf32>
        %add3A_189 = arith.constant 1.000000e+00 : f32
        %add3A_190 = vector.broadcast %add3A_189 : f32 to vector<16xf32>
        %add3A_191 = arith.addf %add3A_190, %exp3A : vector<16xf32>
        %div3A = arith.constant 1.000000e+00 : f32
        %div3A_192 = vector.broadcast %div3A : f32 to vector<16xf32>
        %div3A_193 = arith.divf %div3A_192, %add3A_191 : vector<16xf32>
        %add3A_194 = arith.addi %mul3A_167, %mul3A_179 : i32
        %swap3A = arith.index_cast %add3A_194 : i32 to index
        %swap3A_195 = tpu.vector_load %arg17[%swap3A] {strides = array<i32>} : memref<10000xf32, #tpu.memory_space<vmem>>, vector<16xf32>,
        tpu.vector_store %arg17[%swap3A], %div3A_193 {strides = array<i32>} : memref<10000xf32, #tpu.memory_space<vmem>>, vector<16xf32>,
      }
      %scan3A_172 = arith.constant 5 : i32
    }
    %scan3A_35 = arith.constant 31 : i32
    %dma_wait3A = arith.constant 0 : i32
    %dma_wait3A_36 = arith.constant 0 : i32
    %dma_wait3A_37 = tpu.memref_slice %arg2[%dma_wait3A, %dma_wait3A_36] : memref<10000x128xf32, #tpu.memory_space<hbm>> -> memref<80x128xf32, #tpu.memory_space<hbm>>
    %dma_wait3A_38 = arith.constant 0 : i32
    %dma_wait3A_39 = arith.constant 0 : i32
    %dma_wait3A_40 = tpu.memref_slice %arg2[%dma_wait3A_38, %dma_wait3A_39] : memref<10000x128xf32, #tpu.memory_space<hbm>> -> memref<80x128xf32, #tpu.memory_space<hbm>>
    tpu.wait_dma2 semaphore(%arg18 : memref<!tpu.dma_semaphore, #tpu.memory_space<semaphore_mem>>) src(%dma_wait3A_40 : memref<80x128xf32, #tpu.memory_space<hbm>>) dst(%arg9 : memref<80x128xf32, #tpu.memory_space<vmem>>)
    %dma_wait3A_41 = arith.constant 0 : i32
    %dma_wait3A_42 = arith.constant 0 : i32
    %dma_wait3A_43 = tpu.memref_slice %arg3[%dma_wait3A_41, %dma_wait3A_42] : memref<10000x128xf32, #tpu.memory_space<hbm>> -> memref<80x128xf32, #tpu.memory_space<hbm>>
    %dma_wait3A_44 = arith.constant 0 : i32
    %dma_wait3A_45 = arith.constant 0 : i32
    %dma_wait3A_46 = tpu.memref_slice %arg3[%dma_wait3A_44, %dma_wait3A_45] : memref<10000x128xf32, #tpu.memory_space<hbm>> -> memref<80x128xf32, #tpu.memory_space<hbm>>
    tpu.wait_dma2 semaphore(%arg18 : memref<!tpu.dma_semaphore, #tpu.memory_space<semaphore_mem>>) src(%dma_wait3A_46 : memref<80x128xf32, #tpu.memory_space<hbm>>) dst(%arg13 : memref<80x128xf32, #tpu.memory_space<vmem>>)
    %scan3A_47 = arith.constant 0 : i32
    %scan3A_48 = arith.constant 5 : i32
    %scan3A_49 = arith.addi %scan3A_47, %scan3A_48 : i32
    %scan3A_50 = arith.constant 1 : i32
    scf.for %scan3A_52 = %scan3A_47 to %scan3A_49 step %scan3A_50  : i32 {
      %mul3A_53 = arith.constant 1 : i32
      %mul3A_54 = arith.muli %scan3A_52, %mul3A_53 : i32
      %add3A_55 = arith.constant 0 : i32
      %add3A_56 = arith.addi %add3A_55, %mul3A_54 : i32
      %mul3A_57 = arith.constant 16 : i32
      %mul3A_58 = arith.muli %add3A_56, %mul3A_57 : i32
      %broadcast_in_dim3A = arith.constant 0.000000e+00 : f32
      %broadcast_in_dim3A_59 = vector.broadcast %broadcast_in_dim3A : f32 to vector<16xf32>
      %scan3A_60 = arith.constant 0 : i32
      %scan3A_61 = arith.constant 16 : i32
      %scan3A_62 = arith.addi %scan3A_60, %scan3A_61 : i32
      %scan3A_63 = arith.constant 2 : i32
      %scan3A_64 = scf.for %scan3A_76 = %scan3A_60 to %scan3A_62 step %scan3A_63 iter_args(%scan3A_77 = %broadcast_in_dim3A_59) -> (vector<16xf32>)  : i32 {
        %mul3A_78 = arith.constant 1 : i32
        %mul3A_79 = arith.muli %scan3A_76, %mul3A_78 : i32
        %add3A_80 = arith.constant 0 : i32
        %add3A_81 = arith.addi %add3A_80, %mul3A_79 : i32
        %add3A_82 = arith.addi %mul3A_58, %add3A_81 : i32
        %get3A = arith.index_cast %add3A_82 : i32 to index
        %get3A_83 = arith.constant 0 : index
        %get3A_84 = tpu.vector_load %arg9[%get3A, %get3A_83] {strides = array<i32>} : memref<80x128xf32, #tpu.memory_space<vmem>>, vector<16xf32>,
        %get3A_85 = arith.index_cast %add3A_82 : i32 to index
        %get3A_86 = arith.constant 0 : index
        %get3A_87 = tpu.vector_load %arg13[%get3A_85, %get3A_86] {strides = array<i32>} : memref<80x128xf32, #tpu.memory_space<vmem>>, vector<16xf32>,
        %mul3A_88 = arith.mulf %get3A_84, %get3A_87 : vector<16xf32>
        %get3A_89 = arith.index_cast %add3A_82 : i32 to index
        %get3A_90 = arith.constant 16 : index
        %get3A_91 = tpu.vector_load %arg9[%get3A_89, %get3A_90] {strides = array<i32>} : memref<80x128xf32, #tpu.memory_space<vmem>>, vector<16xf32>,
        %get3A_92 = arith.index_cast %add3A_82 : i32 to index
        %get3A_93 = arith.constant 16 : index
        %get3A_94 = tpu.vector_load %arg13[%get3A_92, %get3A_93] {strides = array<i32>} : memref<80x128xf32, #tpu.memory_space<vmem>>, vector<16xf32>,
        %mul3A_95 = arith.mulf %get3A_91, %get3A_94 : vector<16xf32>
        %get3A_96 = arith.index_cast %add3A_82 : i32 to index
        %get3A_97 = arith.constant 32 : index
        %get3A_98 = tpu.vector_load %arg9[%get3A_96, %get3A_97] {strides = array<i32>} : memref<80x128xf32, #tpu.memory_space<vmem>>, vector<16xf32>,
        %get3A_99 = arith.index_cast %add3A_82 : i32 to index
        %get3A_100 = arith.constant 32 : index
        %get3A_101 = tpu.vector_load %arg13[%get3A_99, %get3A_100] {strides = array<i32>} : memref<80x128xf32, #tpu.memory_space<vmem>>, vector<16xf32>,
        %mul3A_102 = arith.mulf %get3A_98, %get3A_101 : vector<16xf32>
        %get3A_103 = arith.index_cast %add3A_82 : i32 to index
        %get3A_104 = arith.constant 48 : index
        %get3A_105 = tpu.vector_load %arg9[%get3A_103, %get3A_104] {strides = array<i32>} : memref<80x128xf32, #tpu.memory_space<vmem>>, vector<16xf32>,
        %get3A_106 = arith.index_cast %add3A_82 : i32 to index
        %get3A_107 = arith.constant 48 : index
        %get3A_108 = tpu.vector_load %arg13[%get3A_106, %get3A_107] {strides = array<i32>} : memref<80x128xf32, #tpu.memory_space<vmem>>, vector<16xf32>,
        %mul3A_109 = arith.mulf %get3A_105, %get3A_108 : vector<16xf32>
        %get3A_110 = arith.index_cast %add3A_82 : i32 to index
        %get3A_111 = arith.constant 64 : index
        %get3A_112 = tpu.vector_load %arg9[%get3A_110, %get3A_111] {strides = array<i32>} : memref<80x128xf32, #tpu.memory_space<vmem>>, vector<16xf32>,
        %get3A_113 = arith.index_cast %add3A_82 : i32 to index
        %get3A_114 = arith.constant 64 : index
        %get3A_115 = tpu.vector_load %arg13[%get3A_113, %get3A_114] {strides = array<i32>} : memref<80x128xf32, #tpu.memory_space<vmem>>, vector<16xf32>,
        %mul3A_116 = arith.mulf %get3A_112, %get3A_115 : vector<16xf32>
        %get3A_117 = arith.index_cast %add3A_82 : i32 to index
        %get3A_118 = arith.constant 80 : index
        %get3A_119 = tpu.vector_load %arg9[%get3A_117, %get3A_118] {strides = array<i32>} : memref<80x128xf32, #tpu.memory_space<vmem>>, vector<16xf32>,
        %get3A_120 = arith.index_cast %add3A_82 : i32 to index
        %get3A_121 = arith.constant 80 : index
        %get3A_122 = tpu.vector_load %arg13[%get3A_120, %get3A_121] {strides = array<i32>} : memref<80x128xf32, #tpu.memory_space<vmem>>, vector<16xf32>,
        %mul3A_123 = arith.mulf %get3A_119, %get3A_122 : vector<16xf32>
        %get3A_124 = arith.index_cast %add3A_82 : i32 to index
        %get3A_125 = arith.constant 96 : index
        %get3A_126 = tpu.vector_load %arg9[%get3A_124, %get3A_125] {strides = array<i32>} : memref<80x128xf32, #tpu.memory_space<vmem>>, vector<16xf32>,
        %get3A_127 = arith.index_cast %add3A_82 : i32 to index
        %get3A_128 = arith.constant 96 : index
        %get3A_129 = tpu.vector_load %arg13[%get3A_127, %get3A_128] {strides = array<i32>} : memref<80x128xf32, #tpu.memory_space<vmem>>, vector<16xf32>,
        %mul3A_130 = arith.mulf %get3A_126, %get3A_129 : vector<16xf32>
        %get3A_131 = arith.index_cast %add3A_82 : i32 to index
        %get3A_132 = arith.constant 112 : index
        %get3A_133 = tpu.vector_load %arg9[%get3A_131, %get3A_132] {strides = array<i32>} : memref<80x128xf32, #tpu.memory_space<vmem>>, vector<16xf32>,
        %get3A_134 = arith.index_cast %add3A_82 : i32 to index
        %get3A_135 = arith.constant 112 : index
        %get3A_136 = tpu.vector_load %arg13[%get3A_134, %get3A_135] {strides = array<i32>} : memref<80x128xf32, #tpu.memory_space<vmem>>, vector<16xf32>,
        %mul3A_137 = arith.mulf %get3A_133, %get3A_136 : vector<16xf32>
        %add3A_138 = arith.addf %mul3A_88, %mul3A_95 : vector<16xf32>
        %add3A_139 = arith.addf %mul3A_102, %mul3A_109 : vector<16xf32>
        %add3A_140 = arith.addf %mul3A_116, %mul3A_123 : vector<16xf32>
        %add3A_141 = arith.addf %mul3A_130, %mul3A_137 : vector<16xf32>
        %add3A_142 = arith.addf %add3A_138, %add3A_139 : vector<16xf32>
        %add3A_143 = arith.addf %add3A_140, %add3A_141 : vector<16xf32>
        %add3A_144 = arith.addf %add3A_142, %add3A_143 : vector<16xf32>
        %reduce_sum3A = arith.constant true
        %reduce_sum3A_145 = vector.broadcast %reduce_sum3A : i1 to vector<16xi1>
        %reduce_sum3A_146 = tpu.scan <sum>, %add3A_144 masked %reduce_sum3A_145 : vector<16xf32>, vector<16xi1> -> vector<16xf32>
        %reduce_sum3A_147 = vector.extract %reduce_sum3A_146[15] : f32 from vector<16xf32>
        %eq3A = vector.broadcast %add3A_81 : i32 to vector<16xi32>
        %eq3A_148 = arith.cmpi eq, %iota3A, %eq3A : vector<16xi32>
        %broadcast_in_dim3A_149 = vector.broadcast %reduce_sum3A_147 : f32 to vector<16xf32>
        %select_n3A = arith.select %eq3A_148, %broadcast_in_dim3A_149, %scan3A_77 : vector<16xi1>, vector<16xf32>
        %scan3A_150 = arith.constant 1 : i32
        %scan3A_151 = arith.addi %scan3A_76, %scan3A_150 : i32
        %mul3A_152 = arith.constant 1 : i32
        %mul3A_153 = arith.muli %scan3A_151, %mul3A_152 : i32
        %add3A_154 = arith.constant 0 : i32
        %add3A_155 = arith.addi %add3A_154, %mul3A_153 : i32
        %add3A_156 = arith.addi %mul3A_58, %add3A_155 : i32
        %get3A_157 = arith.index_cast %add3A_156 : i32 to index
        %get3A_158 = arith.constant 0 : index
        %get3A_159 = tpu.vector_load %arg9[%get3A_157, %get3A_158] {strides = array<i32>} : memref<80x128xf32, #tpu.memory_space<vmem>>, vector<16xf32>,
        %get3A_160 = arith.index_cast %add3A_156 : i32 to index
        %get3A_161 = arith.constant 0 : index
        %get3A_162 = tpu.vector_load %arg13[%get3A_160, %get3A_161] {strides = array<i32>} : memref<80x128xf32, #tpu.memory_space<vmem>>, vector<16xf32>,
        %mul3A_163 = arith.mulf %get3A_159, %get3A_162 : vector<16xf32>
        %get3A_164 = arith.index_cast %add3A_156 : i32 to index
        %get3A_165 = arith.constant 16 : index
        %get3A_166 = tpu.vector_load %arg9[%get3A_164, %get3A_165] {strides = array<i32>} : memref<80x128xf32, #tpu.memory_space<vmem>>, vector<16xf32>,
        %get3A_167 = arith.index_cast %add3A_156 : i32 to index
        %get3A_168 = arith.constant 16 : index
        %get3A_169 = tpu.vector_load %arg13[%get3A_167, %get3A_168] {strides = array<i32>} : memref<80x128xf32, #tpu.memory_space<vmem>>, vector<16xf32>,
        %mul3A_170 = arith.mulf %get3A_166, %get3A_169 : vector<16xf32>
        %get3A_171 = arith.index_cast %add3A_156 : i32 to index
        %get3A_172 = arith.constant 32 : index
        %get3A_173 = tpu.vector_load %arg9[%get3A_171, %get3A_172] {strides = array<i32>} : memref<80x128xf32, #tpu.memory_space<vmem>>, vector<16xf32>,
        %get3A_174 = arith.index_cast %add3A_156 : i32 to index
        %get3A_175 = arith.constant 32 : index
        %get3A_176 = tpu.vector_load %arg13[%get3A_174, %get3A_175] {strides = array<i32>} : memref<80x128xf32, #tpu.memory_space<vmem>>, vector<16xf32>,
        %mul3A_177 = arith.mulf %get3A_173, %get3A_176 : vector<16xf32>
        %get3A_178 = arith.index_cast %add3A_156 : i32 to index
        %get3A_179 = arith.constant 48 : index
        %get3A_180 = tpu.vector_load %arg9[%get3A_178, %get3A_179] {strides = array<i32>} : memref<80x128xf32, #tpu.memory_space<vmem>>, vector<16xf32>,
        %get3A_181 = arith.index_cast %add3A_156 : i32 to index
        %get3A_182 = arith.constant 48 : index
        %get3A_183 = tpu.vector_load %arg13[%get3A_181, %get3A_182] {strides = array<i32>} : memref<80x128xf32, #tpu.memory_space<vmem>>, vector<16xf32>,
        %mul3A_184 = arith.mulf %get3A_180, %get3A_183 : vector<16xf32>
        %get3A_185 = arith.index_cast %add3A_156 : i32 to index
        %get3A_186 = arith.constant 64 : index
        %get3A_187 = tpu.vector_load %arg9[%get3A_185, %get3A_186] {strides = array<i32>} : memref<80x128xf32, #tpu.memory_space<vmem>>, vector<16xf32>,
        %get3A_188 = arith.index_cast %add3A_156 : i32 to index
        %get3A_189 = arith.constant 64 : index
        %get3A_190 = tpu.vector_load %arg13[%get3A_188, %get3A_189] {strides = array<i32>} : memref<80x128xf32, #tpu.memory_space<vmem>>, vector<16xf32>,
        %mul3A_191 = arith.mulf %get3A_187, %get3A_190 : vector<16xf32>
        %get3A_192 = arith.index_cast %add3A_156 : i32 to index
        %get3A_193 = arith.constant 80 : index
        %get3A_194 = tpu.vector_load %arg9[%get3A_192, %get3A_193] {strides = array<i32>} : memref<80x128xf32, #tpu.memory_space<vmem>>, vector<16xf32>,
        %get3A_195 = arith.index_cast %add3A_156 : i32 to index
        %get3A_196 = arith.constant 80 : index
        %get3A_197 = tpu.vector_load %arg13[%get3A_195, %get3A_196] {strides = array<i32>} : memref<80x128xf32, #tpu.memory_space<vmem>>, vector<16xf32>,
        %mul3A_198 = arith.mulf %get3A_194, %get3A_197 : vector<16xf32>
        %get3A_199 = arith.index_cast %add3A_156 : i32 to index
        %get3A_200 = arith.constant 96 : index
        %get3A_201 = tpu.vector_load %arg9[%get3A_199, %get3A_200] {strides = array<i32>} : memref<80x128xf32, #tpu.memory_space<vmem>>, vector<16xf32>,
        %get3A_202 = arith.index_cast %add3A_156 : i32 to index
        %get3A_203 = arith.constant 96 : index
        %get3A_204 = tpu.vector_load %arg13[%get3A_202, %get3A_203] {strides = array<i32>} : memref<80x128xf32, #tpu.memory_space<vmem>>, vector<16xf32>,
        %mul3A_205 = arith.mulf %get3A_201, %get3A_204 : vector<16xf32>
        %get3A_206 = arith.index_cast %add3A_156 : i32 to index
        %get3A_207 = arith.constant 112 : index
        %get3A_208 = tpu.vector_load %arg9[%get3A_206, %get3A_207] {strides = array<i32>} : memref<80x128xf32, #tpu.memory_space<vmem>>, vector<16xf32>,
        %get3A_209 = arith.index_cast %add3A_156 : i32 to index
        %get3A_210 = arith.constant 112 : index
        %get3A_211 = tpu.vector_load %arg13[%get3A_209, %get3A_210] {strides = array<i32>} : memref<80x128xf32, #tpu.memory_space<vmem>>, vector<16xf32>,
        %mul3A_212 = arith.mulf %get3A_208, %get3A_211 : vector<16xf32>
        %add3A_213 = arith.addf %mul3A_163, %mul3A_170 : vector<16xf32>
        %add3A_214 = arith.addf %mul3A_177, %mul3A_184 : vector<16xf32>
        %add3A_215 = arith.addf %mul3A_191, %mul3A_198 : vector<16xf32>
        %add3A_216 = arith.addf %mul3A_205, %mul3A_212 : vector<16xf32>
        %add3A_217 = arith.addf %add3A_213, %add3A_214 : vector<16xf32>
        %add3A_218 = arith.addf %add3A_215, %add3A_216 : vector<16xf32>
        %add3A_219 = arith.addf %add3A_217, %add3A_218 : vector<16xf32>
        %reduce_sum3A_220 = arith.constant true
        %reduce_sum3A_221 = vector.broadcast %reduce_sum3A_220 : i1 to vector<16xi1>
        %reduce_sum3A_222 = tpu.scan <sum>, %add3A_219 masked %reduce_sum3A_221 : vector<16xf32>, vector<16xi1> -> vector<16xf32>
        %reduce_sum3A_223 = vector.extract %reduce_sum3A_222[15] : f32 from vector<16xf32>
        %eq3A_224 = vector.broadcast %add3A_155 : i32 to vector<16xi32>
        %eq3A_225 = arith.cmpi eq, %iota3A, %eq3A_224 : vector<16xi32>
        %broadcast_in_dim3A_226 = vector.broadcast %reduce_sum3A_223 : f32 to vector<16xf32>
        %select_n3A_227 = arith.select %eq3A_225, %broadcast_in_dim3A_226, %select_n3A : vector<16xi1>, vector<16xf32>
        scf.yield %select_n3A_227 : vector<16xf32>
      }
      %scan3A_65 = arith.constant 16 : i32
      %neg3A = arith.constant 0.000000e+00 : f32
      %neg3A_66 = vector.broadcast %neg3A : f32 to vector<16xf32>
      %neg3A_67 = arith.subf %neg3A_66, %scan3A_64 : vector<16xf32>
      %exp3A = math.exp %neg3A_67 : vector<16xf32>
      %add3A_68 = arith.constant 1.000000e+00 : f32
      %add3A_69 = vector.broadcast %add3A_68 : f32 to vector<16xf32>
      %add3A_70 = arith.addf %add3A_69, %exp3A : vector<16xf32>
      %div3A = arith.constant 1.000000e+00 : f32
      %div3A_71 = vector.broadcast %div3A : f32 to vector<16xf32>
      %div3A_72 = arith.divf %div3A_71, %add3A_70 : vector<16xf32>
      %add3A_73 = arith.constant 9920 : i32
      %add3A_74 = arith.addi %add3A_73, %mul3A_58 : i32
      %swap3A = arith.index_cast %add3A_74 : i32 to index
      %swap3A_75 = tpu.vector_load %arg17[%swap3A] {strides = array<i32>} : memref<10000xf32, #tpu.memory_space<vmem>>, vector<16xf32>,
      tpu.vector_store %arg17[%swap3A], %div3A_72 {strides = array<i32>} : memref<10000xf32, #tpu.memory_space<vmem>>, vector<16xf32>,
    }
    %scan3A_51 = arith.constant 5 : i32
    "tpu.region"() ({
      %run_scoped3A = tpu.sem_alloc : memref<!tpu.dma_semaphore, #tpu.memory_space<semaphore_mem>>
      %dma_start3A_52 = tpu.memref_slice %arg6[%mul3A_2] : memref<320000xf32, #tpu.memory_space<hbm>> -> memref<10000xf32, #tpu.memory_space<hbm>>
      %dma_start3A_53 = tpu.memref_slice %arg6[%mul3A_2] : memref<320000xf32, #tpu.memory_space<hbm>> -> memref<10000xf32, #tpu.memory_space<hbm>>
      tpu.enqueue_dma source(%arg17 : memref<10000xf32, #tpu.memory_space<vmem>>) target(%dma_start3A_53 : memref<10000xf32, #tpu.memory_space<hbm>>) target_semaphore(%run_scoped3A : memref<!tpu.dma_semaphore, #tpu.memory_space<semaphore_mem>>)
      %dma_wait3A_54 = tpu.memref_slice %arg6[%mul3A_2] : memref<320000xf32, #tpu.memory_space<hbm>> -> memref<10000xf32, #tpu.memory_space<hbm>>
      %dma_wait3A_55 = tpu.memref_slice %arg6[%mul3A_2] : memref<320000xf32, #tpu.memory_space<hbm>> -> memref<10000xf32, #tpu.memory_space<hbm>>
      tpu.wait_dma2 semaphore(%run_scoped3A : memref<!tpu.dma_semaphore, #tpu.memory_space<semaphore_mem>>) src(%arg17 : memref<10000xf32, #tpu.memory_space<vmem>>) dst(%dma_wait3A_55 : memref<10000xf32, #tpu.memory_space<hbm>>)
      tpu.yield
    }) : () -> ()
    return
  }
}

</mosaic_0001>

<sc_bundles>
// kernel: _classifier.3.cloned.1.call-start
scs
__scs_entry_jumppad:
0x0: {  	(pc) =	sbr.rel $0x88, $3  }
0x1: {  	(tag) =	ssettag $0x0;
	lr =	simm.s32 $0x1  }
0x2: {  	[smem:$0x3F9D] =	sst lr;
	_ =	strace $0xD0000000  }
0x3: {  	_ = 	snop  }
0x4: {  	_ = 	snop  }
0x5: {  	_ = 	snop  }
0x6: {  	_ = 	snop  }
0x7: {  	_ = 	snop  }
__scs_overlays_trampoline_lowered:
0x8: {  	[smem:$0x3FAC] =	sst s0  }
0x9: {  	[smem:$0x3FAD] =	sst s1  }
0xa: {  	[smem:$0x3FAE] =	sst s2  }
0xb: {  	[smem:$0x3FAF] =	sst s3  }
0xc: {  	[smem:$0x3FB0] =	sst s4  }
0xd: {  	[smem:$0x3FB1] =	sst s5  }
0xe: {  	[smem:$0x3FB2] =	sst s6  }
0xf: {  	[smem:$0x3FB3] =	sst s7  }
0x10: {  	[smem:$0x3FB4] =	sst s8  }
0x11: {  	[smem:$0x3FB5] =	sst s9;
	s0 =	simm.s32 @!p0 $0x0  }
0x12: {  	s1 =	sld [smem:$0x3F9B];
	s0 =	simm.s32 @p0 $0x1  }
0x13: {  	[smem:$0x3FB6] =	sst s0;
	s0 =	simm.s32 @!p1 $0x0  }
0x14: {  	s2 =	sld [smem:$0x3F9A];
	s0 =	simm.s32 @p1 $0x1  }
0x15: {  	[smem:$0x3FB7] =	sst s0;
	s0 =	simm.s32 @!p2 $0x0  }
0x16: {  	s3 =	sld [smem:$0x3FDB];
	s0 =	simm.s32 @p2 $0x1  }
0x17: {  	s4 =	simm.s32 $0x1BF5;
	[smem:$0x3FB9] =	sst s0  }
0x18: {  	s0 =	sld [smem:$0x3F9C];
	_ =	swait.ge [sflag:s4], $0x0  }
0x19: {  	s7 =	sld [smem:$0x3F9D]  }
0x1a: {  	s8 =	sadd.s32 $0xFFFFE003, lr  }
0x1b: {  	s9 =	sadd.s32 $0xFFFFFEF7, lr;
	s5 =	simm.s32 $0xFFFFFFFF;
	p2 =	slt.u32 s8, $0xFFFFF086  }
0x1c: {  	p1 =	slt.u32 s9, $0xF7A;
	s5 =	simm.s32 @!p2 $0x0  }
0x1d: {  	s5 =	simm.s32 @p1 $0x1;
	p0 =	seq.s32 s7, s2  }
0x1e: {  	s7 =	smul.u32 @!p0 $0xF7A, s2;
	p2 =	seq.s32 @!p0 s5, $0x0  }
0x1f: {  	s9 =	smul.u32 $0xF7A, s1;
	s8 =	simm.s32 @!p0 $0x1BF5;
	p2 =	por !p2, p0  }
0x20: {  	[sflag:s8] =	ssyncset.s32 @!p0 $0xFFFFF086;
	s6 =	sadd.s32 @!p0 s3, s7;
	s7 =	simm.s32 @!p0 $0x108  }
0x21: {  	s3 =	sadd.s32 s3, s9;
	s6 =	sadd.s32 @!p0 $0x88, s6;
	s7 =	simm.s32 @p2 $0x1082  }
0x22: {  	[simem:s7], [sflag:s8] =	dma.local @!p0 [hbm:s6], $0xF7A  }
0x23: {  	s9 =	sor.u32 $0xD0000000, s2;
	s6 =	simm.s32 $0x108;
	_ =	swait.ge @!p0 [sflag:s8], $0x0  }
0x24: {  	s3 =	sadd.s32 $0x88, s3;
	s6 =	simm.s32 @!p1 $0x1082;
	[sflag:s4] =	ssyncset.s32 $0xFFFFF086  }
0x25: {  	[simem:s6], [sflag:s4] =	dma.local [hbm:s3], $0xF7A  }
0x26: {  	[smem:$0x3F9D] =	sst s1;
	(tag) =	ssettag s2;
	_ =	strace s9  }
0x27: {  	s1 =	sld [smem:$0x3FAD]  }
0x28: {  	s2 =	sld [smem:$0x3FAE]  }
0x29: {  	s4 =	sld [smem:$0x3FB0]  }
0x2a: {  	p0 =	seq.s32 s5, $0x0;
	s5 =	sld [smem:$0x3FB1]  }
0x2b: {  	s6 =	sld [smem:$0x3FB2]  }
0x2c: {  	s7 =	sld [smem:$0x3FB3]  }
0x2d: {  	s3 =	simm.s32 $0x108;
	s8 =	sld [smem:$0x3FB4]  }
0x2e: {  	s3 =	simm.s32 @!p0 $0x1082;
	s9 =	sld [smem:$0x3FB5]  }
0x2f: {  	lr =	sadd.s32 s0, s3;
	s0 =	sld [smem:$0x3FAC]  }
0x30: {  	s3 =	sld [smem:$0x3FAF]  }
0x31: {  	[smem:$0x3FB8] =	sst s10  }
0x32: {  	s10 =	sld [smem:$0x3FB6];
	_ =	sdelay $0x3  }
0x33: {  	p0 =	seq.s32 s10, $0x1;
	s10 =	sld [smem:$0x3FB8];
	_ =	sdelay $0x3  }
0x34: {  	[smem:$0x3FB8] =	sst s10  }
0x35: {  	s10 =	sld [smem:$0x3FB7];
	_ =	sdelay $0x3  }
0x36: {  	p1 =	seq.s32 s10, $0x1;
	s10 =	sld [smem:$0x3FB8];
	_ =	sdelay $0x3  }
0x37: {  	[smem:$0x3FB8] =	sst s10  }
0x38: {  	s10 =	sld [smem:$0x3FB9]  }
0x39: {  	_ = 	snop;
	(pc) =	sbr.ind lr, $3  }
0x3a: {  	_ = 	snop  }
0x3b: {  	_ = 	snop  }
0x3c: {  	p2 =	seq.s32 s10, $0x1;
	s10 =	sld [smem:$0x3FB8]  }
0x3d: {  	_ =	shalt  }
0x3e: {  	_ =	shalt  }
0x3f: {  	_ =	shalt  }
0x40: {  	_ =	shalt  }
0x41: {  	_ =	shalt  }
0x42: {  	_ =	shalt  }
0x43: {  	_ =	shalt  }
0x44: {  	_ =	shalt  }
0x45: {  	_ =	shalt  }
0x46: {  	_ =	shalt  }
0x47: {  	_ =	shalt  }
0x48: {  	_ =	shalt  }
0x49: {  	_ =	shalt  }
0x4a: {  	_ =	shalt  }
0x4b: {  	_ =	shalt  }
0x4c: {  	_ =	shalt  }
0x4d: {  	_ =	shalt  }
0x4e: {  	_ =	shalt  }
0x4f: {  	_ =	shalt  }
0x50: {  	_ =	shalt  }
0x51: {  	_ =	shalt  }
0x52: {  	_ =	shalt  }
0x53: {  	_ =	shalt  }
0x54: {  	_ =	shalt  }
0x55: {  	_ =	shalt  }
0x56: {  	_ =	shalt  }
0x57: {  	_ =	shalt  }
0x58: {  	_ =	shalt  }
0x59: {  	_ =	shalt  }
0x5a: {  	_ =	shalt  }
0x5b: {  	_ =	shalt  }
0x5c: {  	_ =	shalt  }
0x5d: {  	_ =	shalt  }
0x5e: {  	_ =	shalt  }
0x5f: {  	_ =	shalt  }
0x60: {  	_ =	shalt  }
0x61: {  	_ =	shalt  }
0x62: {  	_ =	shalt  }
0x63: {  	_ =	shalt  }
0x64: {  	_ =	shalt  }
0x65: {  	_ =	shalt  }
0x66: {  	_ =	shalt  }
0x67: {  	_ =	shalt  }
0x68: {  	_ =	shalt  }
0x69: {  	_ =	shalt  }
0x6a: {  	_ =	shalt  }
0x6b: {  	_ =	shalt  }
0x6c: {  	_ =	shalt  }
0x6d: {  	_ =	shalt  }
0x6e: {  	_ =	shalt  }
0x6f: {  	_ =	shalt  }
0x70: {  	_ =	shalt  }
0x71: {  	_ =	shalt  }
0x72: {  	_ =	shalt  }
0x73: {  	_ =	shalt  }
0x74: {  	_ =	shalt  }
0x75: {  	_ =	shalt  }
0x76: {  	_ =	shalt  }
0x77: {  	_ =	shalt  }
0x78: {  	_ =	shalt  }
0x79: {  	_ =	shalt  }
0x7a: {  	_ =	shalt  }
0x7b: {  	_ =	shalt  }
0x7c: {  	_ =	shalt  }
0x7d: {  	_ =	shalt  }
0x7e: {  	_ =	shalt  }
0x7f: {  	_ =	shalt  }
0x80: {  	_ =	shalt  }
0x81: {  	_ =	shalt  }
0x82: {  	_ =	shalt  }
0x83: {  	_ =	shalt  }
0x84: {  	_ =	shalt  }
0x85: {  	_ =	shalt  }
0x86: {  	_ =	shalt  }
0x87: {  	_ =	shalt  }
.Lfunc_end0:
.L_simem_size_0:
called_computation_lowered:
.L_overlay_start_0:
0x88: {  	s2 =	sld [smem:$0x3FD9]  }
0x89: {  	s3 =	sld [smem:$0x3FFE];
	_ =	sdelay $0x1  }
0x8a: {  	s1 =	srdreg.scid  }
0x8b: {  	s0 =	sand.u32 $0x1, s1  }
0x8c: {  	s18 =	sshll.u32 s0, $0xA;
	s2 =	sadd.s32 s3, s2  }
0x8d: {  	s2 =	sadd.s32 s2, s18  }
0x8e: {  	[smem:$0x3FC4] =	sst s2  }
0x8f: {  	_ = 	snop  }
0x90: {  	s2 =	sld [smem:$0x3FC9]  }
0x91: {  	s19 =	sld [smem:$0x3FC8]  }
0x92: {  	s4 =	sld [smem:$0x3FC7]  }
0x93: {  	s5 =	sld [smem:$0x3FC6]  }
0x94: {  	s6 =	sld [smem:$0x3FD0];
	(tm) =	ssettm $0x1  }
0x95: {  	s7 =	sld [smem:$0x3FFB];
	_ =	sdelay $0x3  }
0x96: {  	_ =	strace s7  }
0x97: {  	s7 =	sld [smem:$0x3FFC];
	_ =	sdelay $0x3  }
0x98: {  	_ =	strace s7  }
0x99: {  	s7 =	sld [smem:$0x3FFD];
	_ =	sdelay $0x3  }
0x9a: {  	_ =	strace s7  }
0x9b: {  	_ =	strace $0x8FFFFFFF  }
0x9c: {  	s20 =	sld [smem:$0x3FDB];
	_ =	sdelay $0x1  }
0x9d: {  	s8 =	simm.s32 $_scs_section_size  }
0x9e: {  	s9 =	simm.s32 $_size__tile_overlayer_lowered;
	s10 =	simm.s32 $_tile_overlayer_lowered  }
0x9f: {  	s23 =	simm.s32 $0x1BFF;
	s22 =	sshll.u32 s10, $0x1;
	s7 =	sadd.s32 s8, s20  }
0xa0: {  	s11 =	simm.s32 $0x0;
	s21 =	sshll.u32 s9, $0x1;
	s9 =	sadd.s32 s22, s7  }
0xa1: {  	[timem:s11], [sflag:s23] =	dma.local [hbm:s9], s21  }
0xa2: {  	_ =	swait.ge [sflag:s23], s21  }
0xa3: {  	s8 =	ssub.s32 $0x0, s21;
	[sflag:s23] =	ssyncset.done $0x0  }
0xa4: {  	[sflag:s23] =	ssyncadd.s32 s8;
	_ =	sdelay $0x1  }
0xa5: {  	s24 =	simm.s32 $0x1B8B  }
0xa6: {  	_ =	swait.ge [sflag:s24], $0x1  }
0xa7: {  	[sflag:s24] =	ssyncset.done $0x0  }
0xa8: {  	s25 =	simm.s32 $0x1B8E;
	[sflag:s24] =	ssyncadd.s32 $0xFFFFFFFF  }
0xa9: {  	s26 =	simm.s32 $execute0_lowered;
	[smem:$0x3FD2] =	sst s25  }
0xaa: {  	s8 =	sshll.u32 s26, $0x1;
	_ =	strace $0x80000046;
	[dreg:$0x1] =	wrdreg $0xFFFFFFFF  }
0xab: {  	s28 =	simm.s32 $_size_execute0_lowered;
	s7 =	sadd.s32 s7, s8;
	[dreg:$0x0] =	wrdreg $0x0  }
0xac: {  	s8 =	sshll.u32 s28, $0x1;
	[dreg:$0x2] =	wrdreg s7  }
0xad: {  	[dreg:$0x3] =	wrdreg s8  }
0xae: {  	[dreg:$0x4] =	wrdreg $0xC0  }
0xaf: {  	_ =	task [dreg:s11], $0x5FFFF  }
0xb0: {  	[dreg:$0x1] =	wrdreg $0xFFFFFFFF  }
0xb1: {  	[dreg:$0x0] =	wrdreg $0x60  }
0xb2: {  	[dreg:$0x2] =	wrdreg s2  }
0xb3: {  	[dreg:$0x3] =	wrdreg s19  }
0xb4: {  	[dreg:$0x4] =	wrdreg s4  }
0xb5: {  	[dreg:$0x5] =	wrdreg s5  }
0xb6: {  	[dreg:$0x6] =	wrdreg s6  }
0xb7: {  	[dreg:$0x7] =	wrdreg $0x9  }
0xb8: {  	_ =	task.clear_ibuf [dreg:s11], $0x8FFFF;
	_ =	strace $0x90000046  }
0xb9: {  	s29 =	simm.s32 $0x9;
	_ =	strace $0x80000048  }
0xba: {  	_ =	swait.ge [sflag:s29], $0x1  }
0xbb: {  	[sflag:s29] =	ssyncadd.s32 $0xFFFFFFFF  }
0xbc: {  	_ =	strace $0x90000048  }
0xbd: {  	_ =	sfence  }
0xbe: {  	s30 =	sld [smem:$0x0];
	_ =	sdelay $0x2  }
0xbf: {  	s31 =	sshll.u32 s1, $0xD;
	s1 =	sshrl.u32 s1, $0x2  }
0xc0: {  	s3 =	sand.u32 $0x4000, s31;
	s1 =	sadd.s32 s1, s30  }
0xc1: {  	s0 =	sor.u32 s3, s0;
	s1 =	sshll.u32 s1, $0x11  }
0xc2: {  	s0 =	sor.u32 s1, s0  }
0xc3: {  	s0 =	sadd.s32 $0x8F2B, s0  }
0xc4: {  	[sflag:s0] =	ssyncadd.remote.s32 $0x1  }
0xc5: {  	_ =	sfence.sel $0xFFFF  }
0xc6: {  	[dreg:$0x0] =	wrdreg $0xFFFFFFFF;
	(pc) =	sbr.abs _section_cstart, $3  }
0xc7: {  	[dreg:$0x1] =	wrdreg $0xFFFFFFFF  }
0xc8: {  	_ =	task.clear_ibuf [dreg:s11], $0x2FFFF;
	_ =	strace $0x9FFFFFFF  }
0xc9: {  	(tm) =	ssettm $0x7FFFFFFF  }
tec
execute0_lowered:
.L_overlay_start_1:
0x0: {  	(tag) =	ssettag $0x1  }
0x1: {  	s0 =	rddreg [dreg:$0x0]  }
0x2: {  	s2 =	rddreg [dreg:$0x1]  }
0x3: {  	s1 =	rddreg [dreg:$0x2]  }
0x4: {  	s3 =	rddreg [dreg:$0x3]  }
0x5: {  	s7 =	rddreg [dreg:$0x4]  }
0x6: {  	s4 =	srdreg.scid;
	s6 =	stileid.u32;
	s11 =	simm.s32 $0x50  }
0x7: {  	s12 =	simm.s32 $0x4F00;
	s13 =	simm.s32 $0xEF00;
	s21 =	simm.s32 $0x1  }
0x8: {  	s22 =	simm.s32 $0xC700;
	s23 =	simm.s32 $0x16700;
	s24 =	simm.s32 $0x2  }
0x9: {  	s25 =	simm.s32 $0x3;
	s5 =	sand.u32 $0x1, s4;
	s6 =	sshll.u32 s6, $0x1  }
0xa: {  	s4 =	simm.s32 $0x0;
	s8 =	ssub.s32 $0x2, s5;
	s5 =	sor.u32 s5, s6  }
0xb: {  	s26 =	simm.s32 $0x4;
	[smem:$0x7FF] =	sst s4;
	s9 =	smul.u32 $0x4E2, s5  }
0xc: {  	s29 =	simm.s32 $0x0;
	s31 =	sshrl.u32 s8, $0x1;
	_ =	strace $0x80000047  }
0xd: {  	s8 =	ssub.s32 s8, s31;
	s5 =	sadd.s32 s1, s9;
	s6 =	sadd.s32 s3, s9  }
0xe: {  	v0 =	vlaneseq.u32;
	s7 =	sadd.s32 s7, s9;
	s8 =	smax.u32 s8, $0x1;
	s9 =	simm.s32 $0x5  }
.LBB2_1:
0xf: {  	[tilespmem:s4], [sflag:$0x5] =	stream.linear.gather [hbm4b:s5+s4], $0x2710, $0x38;
	[tilespmem:$0x1B680] =	vst v63  }
0x10: {  	_ =	swait.ge [sflag:s9], $0x2710  }
0x11: {  	[sflag:s9] =	ssyncset.done $0x0  }
0x12: {  	s1 =	simm.s32 $0x2780;
	[sflag:s9] =	ssyncadd.s32 $0xFFFFD8F0  }
0x13: {  	[tilespmem:s1], [sflag:$0x5] =	stream.linear.gather [hbm4b:s6+s4], $0x2710, $0x38;
	[tilespmem:$0x1B680] =	vst v63  }
0x14: {  	_ =	swait.ge [sflag:s9], $0x2710  }
0x15: {  	[sflag:s9] =	ssyncset.done $0x0  }
0x16: {  	[sflag:s9] =	ssyncadd.s32 $0xFFFFD8F0  }
0x17: {  	[tilespmem:s12], [sflag:$0x1] =	stream.indirect.gather [hbm4b:s0+s11], $0x80, s4, s11, $0xb8;
	[tilespmem:$0x1B680] =	vst v63  }
0x18: {  	_ = 	snop  }
0x19: {  	[tilespmem:s13], [sflag:$0x1] =	stream.indirect.gather [hbm4b:s2+s11], $0x80, s1, s11, $0xb8;
	[tilespmem:$0x1B680] =	vst v63  }
0x1a: {  	s17 =	simm.s32 $0x7700  }
0x1b: {  	[tilespmem:s17], [sflag:$0x2] =	stream.indirect.gather [hbm4b:s0+s11], $0x80, s11, s11, $0xb8;
	[tilespmem:$0x1B680] =	vst v63  }
0x1c: {  	s18 =	simm.s32 $0x27D0;
	s3 =	simm.s32 $0x11700  }
0x1d: {  	[tilespmem:s3], [sflag:$0x2] =	stream.indirect.gather [hbm4b:s2+s11], $0x80, s18, s11, $0xb8;
	[tilespmem:$0x1B680] =	vst v63  }
0x1e: {  	s19 =	simm.s32 $0xA0;
	s20 =	simm.s32 $0x9F00  }
0x1f: {  	[tilespmem:s20], [sflag:$0x3] =	stream.indirect.gather [hbm4b:s0+s11], $0x80, s19, s11, $0xb8;
	[tilespmem:$0x1B680] =	vst v63  }
0x20: {  	s28 =	simm.s32 $0x2820;
	s31 =	simm.s32 $0x13F00;
	s30 =	simm.s32 $0x0  }
0x21: {  	[tilespmem:s31], [sflag:$0x3] =	stream.indirect.gather [hbm4b:s2+s11], $0x80, s28, s11, $0xb8;
	[tilespmem:$0x1B680] =	vst v63  }
.LBB2_2:
0x22: {  	_ =	swait.ge [sflag:s21], $0x2800  }
0x23: {  	[sflag:s21] =	ssyncset.done $0x0  }
0x24: {  	[sflag:s21] =	ssyncadd.s32 $0xFFFFD800  }
0x25: {  	s31 =	sshllo.u32 s30, $0x2;
	s3 =	smul.u32 $0x500, s30;
	_ =	swait.ge [sflag:s21], $0x2800  }
0x26: {  	s1 =	smul.u32 $0x50, s31;
	[sflag:s21] =	ssyncset.done $0x0  }
0x27: {  	s3 =	sshra.s32 s3, $0x2;
	[sflag:s21] =	ssyncadd.s32 $0xFFFFD800  }
0x28: {  	[tilespmem:s22], [sflag:$0x4] =	stream.indirect.gather [hbm4b:s0+s11], $0x80, s1, s11, $0xb8;
	[tilespmem:$0x1B680] =	vst v63  }
0x29: {  	s16 =	sadd.s32 $0x18F00, s3;
	s1 =	sadd.s32 $0x2780, s1  }
0x2a: {  	[tilespmem:s23], [sflag:$0x4] =	stream.indirect.gather [hbm4b:s2+s11], $0x80, s1, s11, $0xb8;
	[tilespmem:$0x1B680] =	vst v63  }
0x2b: {  	s14 =	simm.s32 $0xEF80;
	s15 =	simm.s32 $0x4F80;
	v1 =	vmov s16;
	s1 =	simm.s32 $0x0  }
.LBB2_3:
0x2c: {  	v2 =	vld [tilespmem:s15+$0x0]  }
0x2d: {  	v12 =	vld [tilespmem:s14+$0x0]  }
0x2e: {  	v15 =	vld [tilespmem:s15+$0x10]  }
0x2f: {  	v16 =	vld [tilespmem:s14+$0x10]  }
0x30: {  	v18 =	vld [tilespmem:s15+$0x20]  }
0x31: {  	v19 =	vld [tilespmem:s14+$0x20]  }
0x32: {  	v20 =	vld [tilespmem:s15+$0x30]  }
0x33: {  	v21 =	vld [tilespmem:s14+$0x30]  }
0x34: {  	v22 =	vld [tilespmem:s15+$0x40]  }
0x35: {  	v23 =	vld [tilespmem:s14+$0x40]  }
0x36: {  	v24 =	vld [tilespmem:s15+$0x50]  }
0x37: {  	v25 =	vld [tilespmem:s14+$0x50]  }
0x38: {  	v26 =	vld [tilespmem:s15+$0x60]  }
0x39: {  	v27 =	vld [tilespmem:s14+$0x60]  }
0x3a: {  	v28 =	vld [tilespmem:s15+$0x70]  }
0x3b: {  	v29 =	vld [tilespmem:s14+$0x70]  }
0x3c: {  	v30 =	vld [tilespmem:s15+$0xFFFFFF80]  }
0x3d: {  	v31 =	vld [tilespmem:s14+$0xFFFFFF80]  }
0x3e: {  	v3 =	vld [tilespmem:s15+$0xFFFFFF90]  }
0x3f: {  	v4 =	vld [tilespmem:s14+$0xFFFFFF90]  }
0x40: {  	v5 =	vld [tilespmem:s15+$0xFFFFFFA0]  }
0x41: {  	v7 =	vld [tilespmem:s14+$0xFFFFFFA0]  }
0x42: {  	v6 =	vld [tilespmem:s15+$0xFFFFFFB0]  }
0x43: {  	v8 =	vld [tilespmem:s14+$0xFFFFFFB0]  }
0x44: {  	v9 =	vld [tilespmem:s15+$0xFFFFFFC0]  }
0x45: {  	v10 =	vld [tilespmem:s14+$0xFFFFFFC0]  }
0x46: {  	v11 =	vld [tilespmem:s15+$0xFFFFFFD0]  }
0x47: {  	v13 =	vld [tilespmem:s14+$0xFFFFFFD0];
	v14 =	vmul.f32 v12, v2  }
0x48: {  	v12 =	vld [tilespmem:s15+$0xFFFFFFE0];
	v17 =	vmul.f32 v16, v15;
	v18 =	vmul.f32 v19, v18  }
0x49: {  	v15 =	vld [tilespmem:s14+$0xFFFFFFE0];
	v20 =	vmul.f32 v21, v20;
	v19 =	vmul.f32 v23, v22  }
0x4a: {  	s16 =	sshll.u32 s1, $0x4;
	s18 =	sadd.s32 $0x100, s15;
	v16 =	vld [tilespmem:s15+$0xFFFFFFF0];
	v22 =	vmul.f32 v25, v24;
	v23 =	vmul.f32 v27, v26  }
0x4b: {  	s19 =	simm.s32 $0x2;
	s20 =	smov.u32 s14;
	s17 =	simm.s32 $0x0;
	v2 =	vimm.f32 $0.0e+00;
	v21 =	vmul.f32 v31, v30;
	v24 =	vld [tilespmem:s14+$0xFFFFFFF0];
	v25 =	vmul.f32 v29, v28  }
.LBB2_4:
0x4c: {  	v26 =	vld [tilespmem:s18+$0x0];
	p0 =	slt.u32 s19, $0xE;
	v3 =	vmul.f32 v4, v3;
	v4 =	vmul.f32 v7, v5;
	s20 =	sadd.s32 $0x100, s20  }
0x4d: {  	v5 =	vmul.f32 v8, v6;
	v6 =	vmul.f32 v10, v9;
	v27 =	vld [tilespmem:s20+$0x0]  }
0x4e: {  	v7 =	vmul.f32 v13, v11;
	v8 =	vadd.f32 v17, v14;
	v9 =	vadd.f32 v20, v18;
	v28 =	vld [tilespmem:s18+$0x10]  }
0x4f: {  	v11 =	vadd.f32 v22, v19;
	v10 =	vmul.f32 v15, v12;
	v12 =	vadd.f32 v25, v23;
	v17 =	vld [tilespmem:s20+$0x10]  }
0x50: {  	v3 =	vadd.f32 v3, v21;
	v4 =	vadd.f32 v5, v4;
	v15 =	vld [tilespmem:s18+$0x20];
	v13 =	vmul.f32 v24, v16  }
0x51: {  	v5 =	vadd.f32 v9, v8;
	v8 =	vadd.f32 v12, v11;
	v16 =	vld [tilespmem:s20+$0x20]  }
0x52: {  	v6 =	vadd.f32 v7, v6;
	v19 =	vld [tilespmem:s18+$0x30];
	v7 =	vadd.f32 v13, v10  }
0x53: {  	v5 =	vadd.f32 v8, v5;
	v20 =	vld [tilespmem:s20+$0x30]  }
0x54: {  	v3 =	vadd.f32 v4, v3;
	v21 =	vld [tilespmem:s18+$0x40];
	v4 =	vadd.f32 v7, v6  }
0x55: {  	v22 =	vld [tilespmem:s20+$0x40];
	(xrf2) =	vadd.scan.msk.f32 $0xffff, v5  }
0x56: {  	v23 =	vld [tilespmem:s18+$0x50];
	v3 =	vadd.f32 v4, v3  }
0x57: {  	v24 =	vld [tilespmem:s20+$0x50]  }
0x58: {  	v25 =	vld [tilespmem:s18+$0x60];
	(xrf2) =	vadd.scan.msk.f32 $0xffff, v3  }
0x59: {  	v29 =	vld [tilespmem:s20+$0x60]  }
0x5a: {  	v30 =	vld [tilespmem:s18+$0x70]  }
0x5b: {  	v31 =	vld [tilespmem:s20+$0x70]  }
0x5c: {  	v32 =	vld [tilespmem:s18+$0xFFFFFF80]  }
0x5d: {  	v33 =	vld [tilespmem:s20+$0xFFFFFF80]  }
0x5e: {  	v3 =	vld [tilespmem:s18+$0xFFFFFF90]  }
0x5f: {  	v4 =	vld [tilespmem:s20+$0xFFFFFF90];
	v10, _, _ =	vpop (xrf2)  }
0x60: {  	v5 =	vld [tilespmem:s18+$0xFFFFFFA0]  }
0x61: {  	v7 =	vld [tilespmem:s20+$0xFFFFFFA0]  }
0x62: {  	v6 =	vld [tilespmem:s18+$0xFFFFFFB0];
	v9, _, _ =	vpop (xrf2)  }
0x63: {  	s28 =	sadd.s32 $0x1, s17;
	v11 =	vmov s17;
	s17 =	smov.u32 s19;
	v8 =	vld [tilespmem:s20+$0xFFFFFFB0];
	v12 =	vbroadcast v9, $0xF  }
0x64: {  	vm0 =	veq.s32 v11, v0;
	v11 =	vmov s28;
	v13 =	vbroadcast v10, $0xF;
	v9 =	vld [tilespmem:s18+$0xFFFFFFC0]  }
0x65: {  	v10 =	vld [tilespmem:s20+$0xFFFFFFC0];
	v2 =	vsel vm0, v12, v2;
	vm0 =	veq.s32 v11, v0  }
0x66: {  	v11 =	vld [tilespmem:s18+$0xFFFFFFD0];
	v2 =	vsel vm0, v13, v2  }
.Ltmp0:
0x67: {  	v14 =	vmul.f32 v27, v26;
	v13 =	vld [tilespmem:s20+$0xFFFFFFD0];
	(pc) =	sbr.rel @p0 .LBB2_4-.Ltmp0, $4  }
0x68: {  	v17 =	vmul.f32 v17, v28;
	v18 =	vmul.f32 v16, v15;
	v12 =	vld [tilespmem:s18+$0xFFFFFFE0]  }
0x69: {  	v20 =	vmul.f32 v20, v19;
	v19 =	vmul.f32 v22, v21;
	v15 =	vld [tilespmem:s20+$0xFFFFFFE0]  }
0x6a: {  	v22 =	vmul.f32 v24, v23;
	v23 =	vmul.f32 v29, v25;
	v16 =	vld [tilespmem:s18+$0xFFFFFFF0]  }
0x6b: {  	s19 =	sadd.s32 $0x2, s19;
	v25 =	vmul.f32 v31, v30;
	v21 =	vmul.f32 v33, v32;
	s18 =	sadd.s32 $0x100, s18;
	v24 =	vld [tilespmem:s20+$0xFFFFFFF0]  }
0x6c: {  	_ = 	snop  }
0x6d: {  	v3 =	vmul.f32 v4, v3;
	v45 =	vmul.f32 v7, v5  }
0x6e: {  	v46 =	vmul.f32 v8, v6;
	v47 =	vmul.f32 v10, v9;
	v49 =	vadd.f32 v17, v14  }
0x6f: {  	v48 =	vmul.f32 v13, v11;
	v50 =	vadd.f32 v20, v18;
	v52 =	vadd.f32 v22, v19  }
0x70: {  	v53 =	vadd.f32 v25, v23;
	v51 =	vmul.f32 v15, v12;
	v54 =	vmul.f32 v24, v16  }
0x71: {  	v3 =	vadd.f32 v3, v21;
	v4 =	vadd.f32 v46, v45  }
0x72: {  	v55 =	vadd.f32 v48, v47;
	v56 =	vadd.f32 v54, v51  }
0x73: {  	v57 =	vadd.f32 v50, v49;
	v58 =	vadd.f32 v53, v52  }
0x74: {  	v3 =	vadd.f32 v4, v3;
	v59 =	vadd.f32 v56, v55  }
0x75: {  	v60 =	vadd.f32 v58, v57  }
0x76: {  	v3 =	vadd.f32 v59, v3  }
0x77: {  	(xrf2) =	vadd.scan.msk.f32 $0xffff, v60  }
0x78: {  	(xrf2) =	vadd.scan.msk.f32 $0xffff, v3;
	_ =	sdelay $0x8  }
0x79: {  	v3, _, _ =	vpop (xrf2)  }
0x7a: {  	v61, _, _ =	vpop (xrf2)  }
0x7b: {  	v62 =	vmov s17;
	s28 =	sadd.s32 $0x1, s17;
	v4 =	vbroadcast v61, $0xF  }
0x7c: {  	vm0 =	veq.s32 v62, v0;
	v63 =	vmov s28;
	v3 =	vbroadcast v3, $0xF  }
0x7d: {  	vm15 =	veq.s32 v63, v0;
	v2 =	vsel vm0, v4, v2  }
0x7e: {  	v2 =	vsel vm15, v3, v2  }
0x7f: {  	v2 =	vsub.f32 $0.0e+00, v2;
	_ =	sdelay $0x1  }
0x80: {  	v2 =	vmul.f32 $1.442695020e+00, v2;
	_ =	sdelay $0x1  }
0x81: {  	(erf) = vpow2.f32 v2;
	_ =	sdelay $0x8  }
0x82: {  	v2 =	vpop (erf)  }
0x83: {  	v2 =	vadd.f32 $1.000000000e+00, v2;
	_ =	sdelay $0x1  }
0x84: {  	(erf) = vrcp.f32 v2;
	_ =	sdelay $0x3  }
0x85: {  	s1 =	sadd.s32 $0x1, s1  }
0x86: {  	p0 =	sne.s32 s1, $0x5  }
.Ltmp1:
0x87: {  	_ = 	snop;
	(pc) =	sbr.rel @p0 .LBB2_3-.Ltmp1, $3  }
0x88: {  	_ =	sdelay $0x1  }
0x89: {  	v2 =	vpop (erf)  }
0x8a: {  	s14 =	sadd.s32 $0x800, s14;
	s15 =	sadd.s32 $0x800, s15;
	[tilespmem:v1+s16+$0x0 ss:$0x1] =	vst.idx.msk $0xffff, v2  }
0x8b: {  	_ =	swait.ge [sflag:s24], $0x2800  }
0x8c: {  	[sflag:s24] =	ssyncset.done $0x0  }
0x8d: {  	[sflag:s24] =	ssyncadd.s32 $0xFFFFD800  }
0x8e: {  	s1 =	smul.u32 $0x140, s30;
	_ =	swait.ge [sflag:s24], $0x2800  }
0x8f: {  	s15 =	sadd.s32 $0x18F50, s3;
	[sflag:s24] =	ssyncset.done $0x0  }
0x90: {  	s28 =	simm.s32 $0x11780;
	s14 =	sadd.s32 $0x140, s1;
	[sflag:s24] =	ssyncadd.s32 $0xFFFFD800  }
0x91: {  	[tilespmem:s12], [sflag:$0x1] =	stream.indirect.gather [hbm4b:s0+s11], $0x80, s14, s11, $0xb8;
	[tilespmem:$0x1B680] =	vst v63  }
0x92: {  	s16 =	simm.s32 $0x7780;
	s20 =	sadd.s32 $0x28C0, s1;
	s14 =	simm.s32 $0x0  }
0x93: {  	v1 =	vmov s15;
	[tilespmem:s13], [sflag:$0x1] =	stream.indirect.gather [hbm4b:s2+s11], $0x80, s20, s11, $0xb8;
	[tilespmem:$0x1B680] =	vst v63  }
.LBB2_7:
0x94: {  	v2 =	vld [tilespmem:s16+$0x0]  }
0x95: {  	v12 =	vld [tilespmem:s28+$0x0]  }
0x96: {  	v15 =	vld [tilespmem:s16+$0x10]  }
0x97: {  	v16 =	vld [tilespmem:s28+$0x10]  }
0x98: {  	v18 =	vld [tilespmem:s16+$0x20]  }
0x99: {  	v19 =	vld [tilespmem:s28+$0x20]  }
0x9a: {  	v20 =	vld [tilespmem:s16+$0x30]  }
0x9b: {  	v21 =	vld [tilespmem:s28+$0x30]  }
0x9c: {  	v22 =	vld [tilespmem:s16+$0x40]  }
0x9d: {  	v23 =	vld [tilespmem:s28+$0x40]  }
0x9e: {  	v24 =	vld [tilespmem:s16+$0x50]  }
0x9f: {  	v25 =	vld [tilespmem:s28+$0x50]  }
0xa0: {  	v26 =	vld [tilespmem:s16+$0x60]  }
0xa1: {  	v27 =	vld [tilespmem:s28+$0x60]  }
0xa2: {  	v28 =	vld [tilespmem:s16+$0x70]  }
0xa3: {  	v29 =	vld [tilespmem:s28+$0x70]  }
0xa4: {  	v30 =	vld [tilespmem:s16+$0xFFFFFF80]  }
0xa5: {  	v31 =	vld [tilespmem:s28+$0xFFFFFF80]  }
0xa6: {  	v3 =	vld [tilespmem:s16+$0xFFFFFF90]  }
0xa7: {  	v4 =	vld [tilespmem:s28+$0xFFFFFF90]  }
0xa8: {  	v5 =	vld [tilespmem:s16+$0xFFFFFFA0]  }
0xa9: {  	v7 =	vld [tilespmem:s28+$0xFFFFFFA0]  }
0xaa: {  	v6 =	vld [tilespmem:s16+$0xFFFFFFB0]  }
0xab: {  	v8 =	vld [tilespmem:s28+$0xFFFFFFB0]  }
0xac: {  	v9 =	vld [tilespmem:s16+$0xFFFFFFC0]  }
0xad: {  	v10 =	vld [tilespmem:s28+$0xFFFFFFC0]  }
0xae: {  	v11 =	vld [tilespmem:s16+$0xFFFFFFD0]  }
0xaf: {  	v13 =	vld [tilespmem:s28+$0xFFFFFFD0];
	v14 =	vmul.f32 v12, v2  }
0xb0: {  	v12 =	vld [tilespmem:s16+$0xFFFFFFE0];
	v17 =	vmul.f32 v16, v15;
	v18 =	vmul.f32 v19, v18  }
0xb1: {  	v15 =	vld [tilespmem:s28+$0xFFFFFFE0];
	v20 =	vmul.f32 v21, v20;
	v19 =	vmul.f32 v23, v22  }
0xb2: {  	s17 =	sshll.u32 s14, $0x4;
	s19 =	sadd.s32 $0x100, s16;
	v16 =	vld [tilespmem:s16+$0xFFFFFFF0];
	v22 =	vmul.f32 v25, v24;
	v23 =	vmul.f32 v27, v26  }
0xb3: {  	s20 =	simm.s32 $0x2;
	s15 =	smov.u32 s28;
	s18 =	simm.s32 $0x0;
	v2 =	vimm.f32 $0.0e+00;
	v21 =	vmul.f32 v31, v30;
	v24 =	vld [tilespmem:s28+$0xFFFFFFF0];
	v25 =	vmul.f32 v29, v28  }
.LBB2_8:
0xb4: {  	v26 =	vld [tilespmem:s19+$0x0];
	p0 =	slt.u32 s20, $0xE;
	v3 =	vmul.f32 v4, v3;
	v4 =	vmul.f32 v7, v5;
	s15 =	sadd.s32 $0x100, s15  }
0xb5: {  	v5 =	vmul.f32 v8, v6;
	v6 =	vmul.f32 v10, v9;
	v27 =	vld [tilespmem:s15+$0x0]  }
0xb6: {  	v7 =	vmul.f32 v13, v11;
	v8 =	vadd.f32 v17, v14;
	v9 =	vadd.f32 v20, v18;
	v28 =	vld [tilespmem:s19+$0x10]  }
0xb7: {  	v11 =	vadd.f32 v22, v19;
	v10 =	vmul.f32 v15, v12;
	v12 =	vadd.f32 v25, v23;
	v17 =	vld [tilespmem:s15+$0x10]  }
0xb8: {  	v3 =	vadd.f32 v3, v21;
	v4 =	vadd.f32 v5, v4;
	v15 =	vld [tilespmem:s19+$0x20];
	v13 =	vmul.f32 v24, v16  }
0xb9: {  	v5 =	vadd.f32 v9, v8;
	v8 =	vadd.f32 v12, v11;
	v16 =	vld [tilespmem:s15+$0x20]  }
0xba: {  	v6 =	vadd.f32 v7, v6;
	v19 =	vld [tilespmem:s19+$0x30];
	v7 =	vadd.f32 v13, v10  }
0xbb: {  	v5 =	vadd.f32 v8, v5;
	v20 =	vld [tilespmem:s15+$0x30]  }
0xbc: {  	v3 =	vadd.f32 v4, v3;
	v21 =	vld [tilespmem:s19+$0x40];
	v4 =	vadd.f32 v7, v6  }
0xbd: {  	v22 =	vld [tilespmem:s15+$0x40];
	(xrf2) =	vadd.scan.msk.f32 $0xffff, v5  }
0xbe: {  	v23 =	vld [tilespmem:s19+$0x50];
	v3 =	vadd.f32 v4, v3  }
0xbf: {  	v24 =	vld [tilespmem:s15+$0x50]  }
0xc0: {  	v25 =	vld [tilespmem:s19+$0x60];
	(xrf2) =	vadd.scan.msk.f32 $0xffff, v3  }
0xc1: {  	v29 =	vld [tilespmem:s15+$0x60]  }
0xc2: {  	v30 =	vld [tilespmem:s19+$0x70]  }
0xc3: {  	v31 =	vld [tilespmem:s15+$0x70]  }
0xc4: {  	v32 =	vld [tilespmem:s19+$0xFFFFFF80]  }
0xc5: {  	v33 =	vld [tilespmem:s15+$0xFFFFFF80]  }
0xc6: {  	v3 =	vld [tilespmem:s19+$0xFFFFFF90]  }
0xc7: {  	v4 =	vld [tilespmem:s15+$0xFFFFFF90];
	v10, _, _ =	vpop (xrf2)  }
0xc8: {  	v5 =	vld [tilespmem:s19+$0xFFFFFFA0]  }
0xc9: {  	v7 =	vld [tilespmem:s15+$0xFFFFFFA0]  }
0xca: {  	v6 =	vld [tilespmem:s19+$0xFFFFFFB0];
	v9, _, _ =	vpop (xrf2)  }
0xcb: {  	s10 =	sadd.s32 $0x1, s18;
	v11 =	vmov s18;
	s18 =	smov.u32 s20;
	v8 =	vld [tilespmem:s15+$0xFFFFFFB0];
	v12 =	vbroadcast v9, $0xF  }
0xcc: {  	vm0 =	veq.s32 v11, v0;
	v11 =	vmov s10;
	v13 =	vbroadcast v10, $0xF;
	v9 =	vld [tilespmem:s19+$0xFFFFFFC0]  }
0xcd: {  	v10 =	vld [tilespmem:s15+$0xFFFFFFC0];
	v2 =	vsel vm0, v12, v2;
	vm0 =	veq.s32 v11, v0  }
0xce: {  	v11 =	vld [tilespmem:s19+$0xFFFFFFD0];
	v2 =	vsel vm0, v13, v2  }
.Ltmp2:
0xcf: {  	v14 =	vmul.f32 v27, v26;
	v13 =	vld [tilespmem:s15+$0xFFFFFFD0];
	(pc) =	sbr.rel @p0 .LBB2_8-.Ltmp2, $4  }
0xd0: {  	v17 =	vmul.f32 v17, v28;
	v18 =	vmul.f32 v16, v15;
	v12 =	vld [tilespmem:s19+$0xFFFFFFE0]  }
0xd1: {  	v20 =	vmul.f32 v20, v19;
	v19 =	vmul.f32 v22, v21;
	v15 =	vld [tilespmem:s15+$0xFFFFFFE0]  }
0xd2: {  	v22 =	vmul.f32 v24, v23;
	v23 =	vmul.f32 v29, v25;
	v16 =	vld [tilespmem:s19+$0xFFFFFFF0]  }
0xd3: {  	s20 =	sadd.s32 $0x2, s20;
	v25 =	vmul.f32 v31, v30;
	v21 =	vmul.f32 v33, v32;
	s19 =	sadd.s32 $0x100, s19;
	v24 =	vld [tilespmem:s15+$0xFFFFFFF0]  }
0xd4: {  	_ = 	snop  }
0xd5: {  	v3 =	vmul.f32 v4, v3;
	v45 =	vmul.f32 v7, v5  }
0xd6: {  	v46 =	vmul.f32 v8, v6;
	v47 =	vmul.f32 v10, v9;
	v49 =	vadd.f32 v17, v14  }
0xd7: {  	v48 =	vmul.f32 v13, v11;
	v50 =	vadd.f32 v20, v18;
	v52 =	vadd.f32 v22, v19  }
0xd8: {  	v53 =	vadd.f32 v25, v23;
	v51 =	vmul.f32 v15, v12;
	v54 =	vmul.f32 v24, v16  }
0xd9: {  	v3 =	vadd.f32 v3, v21;
	v4 =	vadd.f32 v46, v45  }
0xda: {  	v55 =	vadd.f32 v48, v47;
	v56 =	vadd.f32 v54, v51  }
0xdb: {  	v57 =	vadd.f32 v50, v49;
	v58 =	vadd.f32 v53, v52  }
0xdc: {  	v3 =	vadd.f32 v4, v3;
	v59 =	vadd.f32 v56, v55  }
0xdd: {  	v60 =	vadd.f32 v58, v57  }
0xde: {  	v3 =	vadd.f32 v59, v3  }
0xdf: {  	(xrf2) =	vadd.scan.msk.f32 $0xffff, v60  }
0xe0: {  	(xrf2) =	vadd.scan.msk.f32 $0xffff, v3;
	_ =	sdelay $0x8  }
0xe1: {  	v3, _, _ =	vpop (xrf2)  }
0xe2: {  	v61, _, _ =	vpop (xrf2)  }
0xe3: {  	v62 =	vmov s18;
	s10 =	sadd.s32 $0x1, s18;
	v4 =	vbroadcast v61, $0xF  }
0xe4: {  	vm0 =	veq.s32 v62, v0;
	v63 =	vmov s10;
	v3 =	vbroadcast v3, $0xF  }
0xe5: {  	vm15 =	veq.s32 v63, v0;
	v2 =	vsel vm0, v4, v2  }
0xe6: {  	v2 =	vsel vm15, v3, v2  }
0xe7: {  	v2 =	vsub.f32 $0.0e+00, v2;
	_ =	sdelay $0x1  }
0xe8: {  	v2 =	vmul.f32 $1.442695020e+00, v2;
	_ =	sdelay $0x1  }
0xe9: {  	(erf) = vpow2.f32 v2;
	_ =	sdelay $0x8  }
0xea: {  	v2 =	vpop (erf)  }
0xeb: {  	v2 =	vadd.f32 $1.000000000e+00, v2;
	_ =	sdelay $0x1  }
0xec: {  	(erf) = vrcp.f32 v2;
	_ =	sdelay $0x3  }
0xed: {  	s14 =	sadd.s32 $0x1, s14  }
0xee: {  	p0 =	sne.s32 s14, $0x5  }
.Ltmp3:
0xef: {  	_ = 	snop;
	(pc) =	sbr.rel @p0 .LBB2_7-.Ltmp3, $3  }
0xf0: {  	_ =	sdelay $0x1  }
0xf1: {  	v2 =	vpop (erf)  }
0xf2: {  	s28 =	sadd.s32 $0x800, s28;
	s16 =	sadd.s32 $0x800, s16;
	[tilespmem:v1+s17+$0x0 ss:$0x1] =	vst.idx.msk $0xffff, v2  }
0xf3: {  	_ =	swait.ge [sflag:s25], $0x2800  }
0xf4: {  	[sflag:s25] =	ssyncset.done $0x0  }
0xf5: {  	[sflag:s25] =	ssyncadd.s32 $0xFFFFD800  }
0xf6: {  	p0 =	seq.s32 s30, $0x1E;
	_ =	swait.ge [sflag:s25], $0x2800  }
0xf7: {  	s10 =	sadd.s32 @!p0 $0x190, s1;
	[sflag:s25] =	ssyncset.done $0x0  }
0xf8: {  	s14 =	simm.s32 @!p0 $0x50;
	s15 =	simm.s32 @!p0 $0x7700;
	[sflag:s25] =	ssyncadd.s32 $0xFFFFD800  }
0xf9: {  	[tilespmem:s15], [sflag:$0x2] =	stream.indirect.gather @!p0 [hbm4b:s0+s14], $0x80, s10, s14, $0xb8;
	[tilespmem:$0x1B680] =	vst v63  }
0xfa: {  	s28 =	sadd.s32 $0x18FA0, s3;
	s10 =	sadd.s32 @!p0 $0x2910, s1;
	s15 =	simm.s32 @!p0 $0x11700  }
0xfb: {  	[tilespmem:s15], [sflag:$0x2] =	stream.indirect.gather @!p0 [hbm4b:s2+s14], $0x80, s10, s14, $0xb8;
	[tilespmem:$0x1B680] =	vst v63  }
0xfc: {  	s3 =	simm.s32 $0x0;
	v1 =	vmov s28;
	s14 =	simm.s32 $0x13F80;
	s15 =	simm.s32 $0x9F80  }
.LBB2_11:
0xfd: {  	v2 =	vld [tilespmem:s15+$0x0]  }
0xfe: {  	v12 =	vld [tilespmem:s14+$0x0]  }
0xff: {  	v15 =	vld [tilespmem:s15+$0x10]  }
0x100: {  	v16 =	vld [tilespmem:s14+$0x10]  }
0x101: {  	v18 =	vld [tilespmem:s15+$0x20]  }
0x102: {  	v19 =	vld [tilespmem:s14+$0x20]  }
0x103: {  	v20 =	vld [tilespmem:s15+$0x30]  }
0x104: {  	v21 =	vld [tilespmem:s14+$0x30]  }
0x105: {  	v22 =	vld [tilespmem:s15+$0x40]  }
0x106: {  	v23 =	vld [tilespmem:s14+$0x40]  }
0x107: {  	v24 =	vld [tilespmem:s15+$0x50]  }
0x108: {  	v25 =	vld [tilespmem:s14+$0x50]  }
0x109: {  	v26 =	vld [tilespmem:s15+$0x60]  }
0x10a: {  	v27 =	vld [tilespmem:s14+$0x60]  }
0x10b: {  	v28 =	vld [tilespmem:s15+$0x70]  }
0x10c: {  	v29 =	vld [tilespmem:s14+$0x70]  }
0x10d: {  	v30 =	vld [tilespmem:s15+$0xFFFFFF80]  }
0x10e: {  	v31 =	vld [tilespmem:s14+$0xFFFFFF80]  }
0x10f: {  	v3 =	vld [tilespmem:s15+$0xFFFFFF90]  }
0x110: {  	v4 =	vld [tilespmem:s14+$0xFFFFFF90]  }
0x111: {  	v5 =	vld [tilespmem:s15+$0xFFFFFFA0]  }
0x112: {  	v7 =	vld [tilespmem:s14+$0xFFFFFFA0]  }
0x113: {  	v6 =	vld [tilespmem:s15+$0xFFFFFFB0]  }
0x114: {  	v8 =	vld [tilespmem:s14+$0xFFFFFFB0]  }
0x115: {  	v9 =	vld [tilespmem:s15+$0xFFFFFFC0]  }
0x116: {  	v10 =	vld [tilespmem:s14+$0xFFFFFFC0]  }
0x117: {  	v11 =	vld [tilespmem:s15+$0xFFFFFFD0]  }
0x118: {  	v13 =	vld [tilespmem:s14+$0xFFFFFFD0];
	v14 =	vmul.f32 v12, v2  }
0x119: {  	v12 =	vld [tilespmem:s15+$0xFFFFFFE0];
	v17 =	vmul.f32 v16, v15;
	v18 =	vmul.f32 v19, v18  }
0x11a: {  	v15 =	vld [tilespmem:s14+$0xFFFFFFE0];
	v20 =	vmul.f32 v21, v20;
	v19 =	vmul.f32 v23, v22  }
0x11b: {  	s16 =	sshll.u32 s3, $0x4;
	s18 =	sadd.s32 $0x100, s15;
	v16 =	vld [tilespmem:s15+$0xFFFFFFF0];
	v22 =	vmul.f32 v25, v24;
	v23 =	vmul.f32 v27, v26  }
0x11c: {  	s19 =	simm.s32 $0x2;
	s20 =	smov.u32 s14;
	s17 =	simm.s32 $0x0;
	v2 =	vimm.f32 $0.0e+00;
	v21 =	vmul.f32 v31, v30;
	v24 =	vld [tilespmem:s14+$0xFFFFFFF0];
	v25 =	vmul.f32 v29, v28  }
.LBB2_12:
0x11d: {  	v26 =	vld [tilespmem:s18+$0x0];
	p1 =	slt.u32 s19, $0xE;
	v3 =	vmul.f32 v4, v3;
	v4 =	vmul.f32 v7, v5;
	s20 =	sadd.s32 $0x100, s20  }
0x11e: {  	v5 =	vmul.f32 v8, v6;
	v6 =	vmul.f32 v10, v9;
	v27 =	vld [tilespmem:s20+$0x0]  }
0x11f: {  	v7 =	vmul.f32 v13, v11;
	v8 =	vadd.f32 v17, v14;
	v9 =	vadd.f32 v20, v18;
	v28 =	vld [tilespmem:s18+$0x10]  }
0x120: {  	v11 =	vadd.f32 v22, v19;
	v10 =	vmul.f32 v15, v12;
	v12 =	vadd.f32 v25, v23;
	v17 =	vld [tilespmem:s20+$0x10]  }
0x121: {  	v3 =	vadd.f32 v3, v21;
	v4 =	vadd.f32 v5, v4;
	v15 =	vld [tilespmem:s18+$0x20];
	v13 =	vmul.f32 v24, v16  }
0x122: {  	v5 =	vadd.f32 v9, v8;
	v8 =	vadd.f32 v12, v11;
	v16 =	vld [tilespmem:s20+$0x20]  }
0x123: {  	v6 =	vadd.f32 v7, v6;
	v19 =	vld [tilespmem:s18+$0x30];
	v7 =	vadd.f32 v13, v10  }
0x124: {  	v5 =	vadd.f32 v8, v5;
	v20 =	vld [tilespmem:s20+$0x30]  }
0x125: {  	v3 =	vadd.f32 v4, v3;
	v21 =	vld [tilespmem:s18+$0x40];
	v4 =	vadd.f32 v7, v6  }
0x126: {  	v22 =	vld [tilespmem:s20+$0x40];
	(xrf2) =	vadd.scan.msk.f32 $0xffff, v5  }
0x127: {  	v23 =	vld [tilespmem:s18+$0x50];
	v3 =	vadd.f32 v4, v3  }
0x128: {  	v24 =	vld [tilespmem:s20+$0x50]  }
0x129: {  	v25 =	vld [tilespmem:s18+$0x60];
	(xrf2) =	vadd.scan.msk.f32 $0xffff, v3  }
0x12a: {  	v29 =	vld [tilespmem:s20+$0x60]  }
0x12b: {  	v30 =	vld [tilespmem:s18+$0x70]  }
0x12c: {  	v31 =	vld [tilespmem:s20+$0x70]  }
0x12d: {  	v32 =	vld [tilespmem:s18+$0xFFFFFF80]  }
0x12e: {  	v33 =	vld [tilespmem:s20+$0xFFFFFF80]  }
0x12f: {  	v3 =	vld [tilespmem:s18+$0xFFFFFF90]  }
0x130: {  	v4 =	vld [tilespmem:s20+$0xFFFFFF90];
	v10, _, _ =	vpop (xrf2)  }
0x131: {  	v5 =	vld [tilespmem:s18+$0xFFFFFFA0]  }
0x132: {  	v7 =	vld [tilespmem:s20+$0xFFFFFFA0]  }
0x133: {  	v6 =	vld [tilespmem:s18+$0xFFFFFFB0];
	v9, _, _ =	vpop (xrf2)  }
0x134: {  	s10 =	sadd.s32 $0x1, s17;
	v11 =	vmov s17;
	s17 =	smov.u32 s19;
	v8 =	vld [tilespmem:s20+$0xFFFFFFB0];
	v12 =	vbroadcast v9, $0xF  }
0x135: {  	vm0 =	veq.s32 v11, v0;
	v11 =	vmov s10;
	v13 =	vbroadcast v10, $0xF;
	v9 =	vld [tilespmem:s18+$0xFFFFFFC0]  }
0x136: {  	v10 =	vld [tilespmem:s20+$0xFFFFFFC0];
	v2 =	vsel vm0, v12, v2;
	vm0 =	veq.s32 v11, v0  }
0x137: {  	v11 =	vld [tilespmem:s18+$0xFFFFFFD0];
	v2 =	vsel vm0, v13, v2  }
.Ltmp4:
0x138: {  	v14 =	vmul.f32 v27, v26;
	v13 =	vld [tilespmem:s20+$0xFFFFFFD0];
	(pc) =	sbr.rel @p1 .LBB2_12-.Ltmp4, $4  }
0x139: {  	v17 =	vmul.f32 v17, v28;
	v18 =	vmul.f32 v16, v15;
	v12 =	vld [tilespmem:s18+$0xFFFFFFE0]  }
0x13a: {  	v20 =	vmul.f32 v20, v19;
	v19 =	vmul.f32 v22, v21;
	v15 =	vld [tilespmem:s20+$0xFFFFFFE0]  }
0x13b: {  	v22 =	vmul.f32 v24, v23;
	v23 =	vmul.f32 v29, v25;
	v16 =	vld [tilespmem:s18+$0xFFFFFFF0]  }
0x13c: {  	s19 =	sadd.s32 $0x2, s19;
	v25 =	vmul.f32 v31, v30;
	v21 =	vmul.f32 v33, v32;
	s18 =	sadd.s32 $0x100, s18;
	v24 =	vld [tilespmem:s20+$0xFFFFFFF0]  }
0x13d: {  	_ = 	snop  }
0x13e: {  	v3 =	vmul.f32 v4, v3;
	v45 =	vmul.f32 v7, v5  }
0x13f: {  	v46 =	vmul.f32 v8, v6;
	v47 =	vmul.f32 v10, v9;
	v49 =	vadd.f32 v17, v14  }
0x140: {  	v48 =	vmul.f32 v13, v11;
	v50 =	vadd.f32 v20, v18;
	v52 =	vadd.f32 v22, v19  }
0x141: {  	v53 =	vadd.f32 v25, v23;
	v51 =	vmul.f32 v15, v12;
	v54 =	vmul.f32 v24, v16  }
0x142: {  	v3 =	vadd.f32 v3, v21;
	v4 =	vadd.f32 v46, v45  }
0x143: {  	v55 =	vadd.f32 v48, v47;
	v56 =	vadd.f32 v54, v51  }
0x144: {  	v57 =	vadd.f32 v50, v49;
	v58 =	vadd.f32 v53, v52  }
0x145: {  	v3 =	vadd.f32 v4, v3;
	v59 =	vadd.f32 v56, v55  }
0x146: {  	v60 =	vadd.f32 v58, v57  }
0x147: {  	v3 =	vadd.f32 v59, v3  }
0x148: {  	(xrf2) =	vadd.scan.msk.f32 $0xffff, v60  }
0x149: {  	(xrf2) =	vadd.scan.msk.f32 $0xffff, v3;
	_ =	sdelay $0x8  }
0x14a: {  	v3, _, _ =	vpop (xrf2)  }
0x14b: {  	v61, _, _ =	vpop (xrf2)  }
0x14c: {  	v62 =	vmov s17;
	s10 =	sadd.s32 $0x1, s17;
	v4 =	vbroadcast v61, $0xF  }
0x14d: {  	vm0 =	veq.s32 v62, v0;
	v63 =	vmov s10;
	v3 =	vbroadcast v3, $0xF  }
0x14e: {  	vm15 =	veq.s32 v63, v0;
	v2 =	vsel vm0, v4, v2  }
0x14f: {  	v2 =	vsel vm15, v3, v2  }
0x150: {  	v2 =	vsub.f32 $0.0e+00, v2;
	_ =	sdelay $0x1  }
0x151: {  	v2 =	vmul.f32 $1.442695020e+00, v2;
	_ =	sdelay $0x1  }
0x152: {  	(erf) = vpow2.f32 v2;
	_ =	sdelay $0x8  }
0x153: {  	v2 =	vpop (erf)  }
0x154: {  	v2 =	vadd.f32 $1.000000000e+00, v2;
	_ =	sdelay $0x1  }
0x155: {  	(erf) = vrcp.f32 v2;
	_ =	sdelay $0x3  }
0x156: {  	s3 =	sadd.s32 $0x1, s3  }
0x157: {  	p1 =	sne.s32 s3, $0x5  }
.Ltmp5:
0x158: {  	_ = 	snop;
	(pc) =	sbr.rel @p1 .LBB2_11-.Ltmp5, $3  }
0x159: {  	_ =	sdelay $0x1  }
0x15a: {  	v2 =	vpop (erf)  }
0x15b: {  	s14 =	sadd.s32 $0x800, s14;
	s15 =	sadd.s32 $0x800, s15;
	[tilespmem:v1+s16+$0x0 ss:$0x1] =	vst.idx.msk $0xffff, v2  }
0x15c: {  	_ =	swait.ge [sflag:s26], $0x2800  }
0x15d: {  	[sflag:s26] =	ssyncset.done $0x0  }
0x15e: {  	[sflag:s26] =	ssyncadd.s32 $0xFFFFD800  }
0x15f: {  	s20 =	smul.u32 $0x140, s31;
	_ =	swait.ge [sflag:s26], $0x2800  }
0x160: {  	s3 =	sadd.s32 @!p0 $0x1E0, s1;
	s10 =	simm.s32 @!p0 $0x50;
	[sflag:s26] =	ssyncset.done $0x0  }
0x161: {  	s14 =	simm.s32 @!p0 $0x9F00;
	s28 =	sshra.s32 s20, $0x2;
	[sflag:s26] =	ssyncadd.s32 $0xFFFFD800  }
0x162: {  	[tilespmem:s14], [sflag:$0x3] =	stream.indirect.gather @!p0 [hbm4b:s0+s10], $0x80, s3, s10, $0xb8;
	[tilespmem:$0x1B680] =	vst v63  }
0x163: {  	s1 =	sadd.s32 @!p0 $0x2960, s1;
	s31 =	sadd.s32 $0x18F00, s28;
	s3 =	simm.s32 @!p0 $0x13F00  }
0x164: {  	[tilespmem:s3], [sflag:$0x3] =	stream.indirect.gather @!p0 [hbm4b:s2+s10], $0x80, s1, s10, $0xb8;
	[tilespmem:$0x1B680] =	vst v63  }
0x165: {  	v1 =	vmov s31;
	s14 =	simm.s32 $0xC780;
	s1 =	simm.s32 $0x0;
	s3 =	simm.s32 $0x16780  }
.LBB2_15:
0x166: {  	v2 =	vld [tilespmem:s14+$0x0]  }
0x167: {  	v12 =	vld [tilespmem:s3+$0x0]  }
0x168: {  	v15 =	vld [tilespmem:s14+$0x10]  }
0x169: {  	v16 =	vld [tilespmem:s3+$0x10]  }
0x16a: {  	v18 =	vld [tilespmem:s14+$0x20]  }
0x16b: {  	v19 =	vld [tilespmem:s3+$0x20]  }
0x16c: {  	v20 =	vld [tilespmem:s14+$0x30]  }
0x16d: {  	v21 =	vld [tilespmem:s3+$0x30]  }
0x16e: {  	v22 =	vld [tilespmem:s14+$0x40]  }
0x16f: {  	v23 =	vld [tilespmem:s3+$0x40]  }
0x170: {  	v24 =	vld [tilespmem:s14+$0x50]  }
0x171: {  	v25 =	vld [tilespmem:s3+$0x50]  }
0x172: {  	v26 =	vld [tilespmem:s14+$0x60]  }
0x173: {  	v27 =	vld [tilespmem:s3+$0x60]  }
0x174: {  	v28 =	vld [tilespmem:s14+$0x70]  }
0x175: {  	v29 =	vld [tilespmem:s3+$0x70]  }
0x176: {  	v30 =	vld [tilespmem:s14+$0xFFFFFF80]  }
0x177: {  	v31 =	vld [tilespmem:s3+$0xFFFFFF80]  }
0x178: {  	v3 =	vld [tilespmem:s14+$0xFFFFFF90]  }
0x179: {  	v4 =	vld [tilespmem:s3+$0xFFFFFF90]  }
0x17a: {  	v5 =	vld [tilespmem:s14+$0xFFFFFFA0]  }
0x17b: {  	v7 =	vld [tilespmem:s3+$0xFFFFFFA0]  }
0x17c: {  	v6 =	vld [tilespmem:s14+$0xFFFFFFB0]  }
0x17d: {  	v8 =	vld [tilespmem:s3+$0xFFFFFFB0]  }
0x17e: {  	v9 =	vld [tilespmem:s14+$0xFFFFFFC0]  }
0x17f: {  	v10 =	vld [tilespmem:s3+$0xFFFFFFC0]  }
0x180: {  	v11 =	vld [tilespmem:s14+$0xFFFFFFD0]  }
0x181: {  	v13 =	vld [tilespmem:s3+$0xFFFFFFD0];
	v14 =	vmul.f32 v12, v2  }
0x182: {  	v12 =	vld [tilespmem:s14+$0xFFFFFFE0];
	v17 =	vmul.f32 v16, v15;
	v18 =	vmul.f32 v19, v18  }
0x183: {  	v15 =	vld [tilespmem:s3+$0xFFFFFFE0];
	v20 =	vmul.f32 v21, v20;
	v19 =	vmul.f32 v23, v22  }
0x184: {  	s15 =	sshll.u32 s1, $0x4;
	s17 =	sadd.s32 $0x100, s14;
	v16 =	vld [tilespmem:s14+$0xFFFFFFF0];
	v22 =	vmul.f32 v25, v24;
	v23 =	vmul.f32 v27, v26  }
0x185: {  	s18 =	simm.s32 $0x2;
	s19 =	smov.u32 s3;
	s16 =	simm.s32 $0x0;
	v2 =	vimm.f32 $0.0e+00;
	v21 =	vmul.f32 v31, v30;
	v24 =	vld [tilespmem:s3+$0xFFFFFFF0];
	v25 =	vmul.f32 v29, v28  }
.LBB2_16:
0x186: {  	v26 =	vld [tilespmem:s17+$0x0];
	p0 =	slt.u32 s18, $0xE;
	v3 =	vmul.f32 v4, v3;
	v4 =	vmul.f32 v7, v5;
	s19 =	sadd.s32 $0x100, s19  }
0x187: {  	v5 =	vmul.f32 v8, v6;
	v6 =	vmul.f32 v10, v9;
	v27 =	vld [tilespmem:s19+$0x0]  }
0x188: {  	v7 =	vmul.f32 v13, v11;
	v8 =	vadd.f32 v17, v14;
	v9 =	vadd.f32 v20, v18;
	v28 =	vld [tilespmem:s17+$0x10]  }
0x189: {  	v11 =	vadd.f32 v22, v19;
	v10 =	vmul.f32 v15, v12;
	v12 =	vadd.f32 v25, v23;
	v17 =	vld [tilespmem:s19+$0x10]  }
0x18a: {  	v3 =	vadd.f32 v3, v21;
	v4 =	vadd.f32 v5, v4;
	v15 =	vld [tilespmem:s17+$0x20];
	v13 =	vmul.f32 v24, v16  }
0x18b: {  	v5 =	vadd.f32 v9, v8;
	v8 =	vadd.f32 v12, v11;
	v16 =	vld [tilespmem:s19+$0x20]  }
0x18c: {  	v6 =	vadd.f32 v7, v6;
	v19 =	vld [tilespmem:s17+$0x30];
	v7 =	vadd.f32 v13, v10  }
0x18d: {  	v5 =	vadd.f32 v8, v5;
	v20 =	vld [tilespmem:s19+$0x30]  }
0x18e: {  	v3 =	vadd.f32 v4, v3;
	v21 =	vld [tilespmem:s17+$0x40];
	v4 =	vadd.f32 v7, v6  }
0x18f: {  	v22 =	vld [tilespmem:s19+$0x40];
	(xrf2) =	vadd.scan.msk.f32 $0xffff, v5  }
0x190: {  	v23 =	vld [tilespmem:s17+$0x50];
	v3 =	vadd.f32 v4, v3  }
0x191: {  	v24 =	vld [tilespmem:s19+$0x50]  }
0x192: {  	v25 =	vld [tilespmem:s17+$0x60];
	(xrf2) =	vadd.scan.msk.f32 $0xffff, v3  }
0x193: {  	v29 =	vld [tilespmem:s19+$0x60]  }
0x194: {  	v30 =	vld [tilespmem:s17+$0x70]  }
0x195: {  	v31 =	vld [tilespmem:s19+$0x70]  }
0x196: {  	v32 =	vld [tilespmem:s17+$0xFFFFFF80]  }
0x197: {  	v33 =	vld [tilespmem:s19+$0xFFFFFF80]  }
0x198: {  	v3 =	vld [tilespmem:s17+$0xFFFFFF90]  }
0x199: {  	v4 =	vld [tilespmem:s19+$0xFFFFFF90];
	v10, _, _ =	vpop (xrf2)  }
0x19a: {  	v5 =	vld [tilespmem:s17+$0xFFFFFFA0]  }
0x19b: {  	v7 =	vld [tilespmem:s19+$0xFFFFFFA0]  }
0x19c: {  	v6 =	vld [tilespmem:s17+$0xFFFFFFB0];
	v9, _, _ =	vpop (xrf2)  }
0x19d: {  	s10 =	sadd.s32 $0x1, s16;
	v11 =	vmov s16;
	s16 =	smov.u32 s18;
	v8 =	vld [tilespmem:s19+$0xFFFFFFB0];
	v12 =	vbroadcast v9, $0xF  }
0x19e: {  	vm0 =	veq.s32 v11, v0;
	v11 =	vmov s10;
	v13 =	vbroadcast v10, $0xF;
	v9 =	vld [tilespmem:s17+$0xFFFFFFC0]  }
0x19f: {  	v10 =	vld [tilespmem:s19+$0xFFFFFFC0];
	v2 =	vsel vm0, v12, v2;
	vm0 =	veq.s32 v11, v0  }
0x1a0: {  	v11 =	vld [tilespmem:s17+$0xFFFFFFD0];
	v2 =	vsel vm0, v13, v2  }
.Ltmp6:
0x1a1: {  	v14 =	vmul.f32 v27, v26;
	v13 =	vld [tilespmem:s19+$0xFFFFFFD0];
	(pc) =	sbr.rel @p0 .LBB2_16-.Ltmp6, $4  }
0x1a2: {  	v17 =	vmul.f32 v17, v28;
	v18 =	vmul.f32 v16, v15;
	v12 =	vld [tilespmem:s17+$0xFFFFFFE0]  }
0x1a3: {  	v20 =	vmul.f32 v20, v19;
	v19 =	vmul.f32 v22, v21;
	v15 =	vld [tilespmem:s19+$0xFFFFFFE0]  }
0x1a4: {  	v22 =	vmul.f32 v24, v23;
	v23 =	vmul.f32 v29, v25;
	v16 =	vld [tilespmem:s17+$0xFFFFFFF0]  }
0x1a5: {  	s18 =	sadd.s32 $0x2, s18;
	v25 =	vmul.f32 v31, v30;
	v21 =	vmul.f32 v33, v32;
	s17 =	sadd.s32 $0x100, s17;
	v24 =	vld [tilespmem:s19+$0xFFFFFFF0]  }
0x1a6: {  	_ = 	snop  }
0x1a7: {  	v3 =	vmul.f32 v4, v3;
	v45 =	vmul.f32 v7, v5  }
0x1a8: {  	v46 =	vmul.f32 v8, v6;
	v47 =	vmul.f32 v10, v9;
	v49 =	vadd.f32 v17, v14  }
0x1a9: {  	v48 =	vmul.f32 v13, v11;
	v50 =	vadd.f32 v20, v18;
	v52 =	vadd.f32 v22, v19  }
0x1aa: {  	v53 =	vadd.f32 v25, v23;
	v51 =	vmul.f32 v15, v12;
	v54 =	vmul.f32 v24, v16  }
0x1ab: {  	v3 =	vadd.f32 v3, v21;
	v4 =	vadd.f32 v46, v45  }
0x1ac: {  	v55 =	vadd.f32 v48, v47;
	v56 =	vadd.f32 v54, v51  }
0x1ad: {  	v57 =	vadd.f32 v50, v49;
	v58 =	vadd.f32 v53, v52  }
0x1ae: {  	v3 =	vadd.f32 v4, v3;
	v59 =	vadd.f32 v56, v55  }
0x1af: {  	v60 =	vadd.f32 v58, v57  }
0x1b0: {  	v3 =	vadd.f32 v59, v3  }
0x1b1: {  	(xrf2) =	vadd.scan.msk.f32 $0xffff, v60  }
0x1b2: {  	(xrf2) =	vadd.scan.msk.f32 $0xffff, v3;
	_ =	sdelay $0x8  }
0x1b3: {  	v3, _, _ =	vpop (xrf2)  }
0x1b4: {  	v61, _, _ =	vpop (xrf2)  }
0x1b5: {  	v62 =	vmov s16;
	s10 =	sadd.s32 $0x1, s16;
	v4 =	vbroadcast v61, $0xF  }
0x1b6: {  	vm0 =	veq.s32 v62, v0;
	v63 =	vmov s10;
	v3 =	vbroadcast v3, $0xF  }
0x1b7: {  	vm15 =	veq.s32 v63, v0;
	v2 =	vsel vm0, v4, v2  }
0x1b8: {  	v2 =	vsel vm15, v3, v2  }
0x1b9: {  	v2 =	vsub.f32 $0.0e+00, v2;
	_ =	sdelay $0x1  }
0x1ba: {  	v2 =	vmul.f32 $1.442695020e+00, v2;
	_ =	sdelay $0x1  }
0x1bb: {  	(erf) = vpow2.f32 v2;
	_ =	sdelay $0x8  }
0x1bc: {  	v2 =	vpop (erf)  }
0x1bd: {  	v2 =	vadd.f32 $1.000000000e+00, v2;
	_ =	sdelay $0x1  }
0x1be: {  	(erf) = vrcp.f32 v2;
	_ =	sdelay $0x3  }
0x1bf: {  	s1 =	sadd.s32 $0x1, s1  }
0x1c0: {  	p0 =	sne.s32 s1, $0x5  }
.Ltmp7:
0x1c1: {  	_ = 	snop;
	(pc) =	sbr.rel @p0 .LBB2_15-.Ltmp7, $3  }
0x1c2: {  	_ =	sdelay $0x1  }
0x1c3: {  	v2 =	vpop (erf)  }
0x1c4: {  	s3 =	sadd.s32 $0x800, s3;
	s14 =	sadd.s32 $0x800, s14;
	[tilespmem:v1+s15+$0x0 ss:$0x1] =	vst.idx.msk $0xffff, v2  }
0x1c5: {  	s30 =	sadd.s32 $0x1, s30  }
0x1c6: {  	p0 =	sne.s32 s30, $0x1F  }
.Ltmp8:
0x1c7: {  	_ = 	snop;
	(pc) =	sbr.rel @p0 .LBB2_2-.Ltmp8, $1  }
0x1c8: {  	_ =	sdelay $0x3  }
0x1c9: {  	_ =	swait.ge [sflag:s21], $0x2800  }
0x1ca: {  	[sflag:s21] =	ssyncset.done $0x0  }
0x1cb: {  	[sflag:s21] =	ssyncadd.s32 $0xFFFFD800  }
0x1cc: {  	_ =	swait.ge [sflag:s21], $0x2800  }
0x1cd: {  	s1 =	simm.s32 $0x0;
	[sflag:s21] =	ssyncset.done $0x0  }
0x1ce: {  	s3 =	simm.s32 $0xEF80;
	s14 =	simm.s32 $0x4F80;
	[sflag:s21] =	ssyncadd.s32 $0xFFFFD800  }
.LBB2_20:
0x1cf: {  	v1 =	vld [tilespmem:s14+$0x0]  }
0x1d0: {  	v11 =	vld [tilespmem:s3+$0x0]  }
0x1d1: {  	v14 =	vld [tilespmem:s14+$0x10]  }
0x1d2: {  	v15 =	vld [tilespmem:s3+$0x10]  }
0x1d3: {  	v17 =	vld [tilespmem:s14+$0x20]  }
0x1d4: {  	v18 =	vld [tilespmem:s3+$0x20]  }
0x1d5: {  	v19 =	vld [tilespmem:s14+$0x30]  }
0x1d6: {  	v20 =	vld [tilespmem:s3+$0x30]  }
0x1d7: {  	v21 =	vld [tilespmem:s14+$0x40]  }
0x1d8: {  	v22 =	vld [tilespmem:s3+$0x40]  }
0x1d9: {  	v23 =	vld [tilespmem:s14+$0x50]  }
0x1da: {  	v24 =	vld [tilespmem:s3+$0x50]  }
0x1db: {  	v25 =	vld [tilespmem:s14+$0x60]  }
0x1dc: {  	v26 =	vld [tilespmem:s3+$0x60]  }
0x1dd: {  	v27 =	vld [tilespmem:s14+$0x70]  }
0x1de: {  	v28 =	vld [tilespmem:s3+$0x70]  }
0x1df: {  	v29 =	vld [tilespmem:s14+$0xFFFFFF80]  }
0x1e0: {  	v30 =	vld [tilespmem:s3+$0xFFFFFF80]  }
0x1e1: {  	v2 =	vld [tilespmem:s14+$0xFFFFFF90]  }
0x1e2: {  	v3 =	vld [tilespmem:s3+$0xFFFFFF90]  }
0x1e3: {  	v4 =	vld [tilespmem:s14+$0xFFFFFFA0]  }
0x1e4: {  	v6 =	vld [tilespmem:s3+$0xFFFFFFA0]  }
0x1e5: {  	v5 =	vld [tilespmem:s14+$0xFFFFFFB0]  }
0x1e6: {  	v7 =	vld [tilespmem:s3+$0xFFFFFFB0]  }
0x1e7: {  	v8 =	vld [tilespmem:s14+$0xFFFFFFC0]  }
0x1e8: {  	v9 =	vld [tilespmem:s3+$0xFFFFFFC0]  }
0x1e9: {  	v10 =	vld [tilespmem:s14+$0xFFFFFFD0]  }
0x1ea: {  	v12 =	vld [tilespmem:s3+$0xFFFFFFD0];
	v13 =	vmul.f32 v11, v1  }
0x1eb: {  	v11 =	vld [tilespmem:s14+$0xFFFFFFE0];
	v16 =	vmul.f32 v15, v14;
	v17 =	vmul.f32 v18, v17  }
0x1ec: {  	v14 =	vld [tilespmem:s3+$0xFFFFFFE0];
	v19 =	vmul.f32 v20, v19;
	v18 =	vmul.f32 v22, v21  }
0x1ed: {  	s15 =	sshll.u32 s1, $0x4;
	s17 =	sadd.s32 $0x100, s14;
	v15 =	vld [tilespmem:s14+$0xFFFFFFF0];
	v21 =	vmul.f32 v24, v23;
	v22 =	vmul.f32 v26, v25  }
0x1ee: {  	s18 =	simm.s32 $0x2;
	s19 =	smov.u32 s3;
	s16 =	simm.s32 $0x0;
	v1 =	vimm.f32 $0.0e+00;
	v20 =	vmul.f32 v30, v29;
	v23 =	vld [tilespmem:s3+$0xFFFFFFF0];
	v24 =	vmul.f32 v28, v27  }
.LBB2_21:
0x1ef: {  	v25 =	vld [tilespmem:s17+$0x0];
	p0 =	slt.u32 s18, $0xE;
	v2 =	vmul.f32 v3, v2;
	v3 =	vmul.f32 v6, v4;
	s19 =	sadd.s32 $0x100, s19  }
0x1f0: {  	v4 =	vmul.f32 v7, v5;
	v5 =	vmul.f32 v9, v8;
	v26 =	vld [tilespmem:s19+$0x0]  }
0x1f1: {  	v6 =	vmul.f32 v12, v10;
	v7 =	vadd.f32 v16, v13;
	v8 =	vadd.f32 v19, v17;
	v27 =	vld [tilespmem:s17+$0x10]  }
0x1f2: {  	v10 =	vadd.f32 v21, v18;
	v9 =	vmul.f32 v14, v11;
	v11 =	vadd.f32 v24, v22;
	v16 =	vld [tilespmem:s19+$0x10]  }
0x1f3: {  	v2 =	vadd.f32 v2, v20;
	v3 =	vadd.f32 v4, v3;
	v14 =	vld [tilespmem:s17+$0x20];
	v12 =	vmul.f32 v23, v15  }
0x1f4: {  	v4 =	vadd.f32 v8, v7;
	v7 =	vadd.f32 v11, v10;
	v15 =	vld [tilespmem:s19+$0x20]  }
0x1f5: {  	v5 =	vadd.f32 v6, v5;
	v18 =	vld [tilespmem:s17+$0x30];
	v6 =	vadd.f32 v12, v9  }
0x1f6: {  	v4 =	vadd.f32 v7, v4;
	v19 =	vld [tilespmem:s19+$0x30]  }
0x1f7: {  	v2 =	vadd.f32 v3, v2;
	v20 =	vld [tilespmem:s17+$0x40];
	v3 =	vadd.f32 v6, v5  }
0x1f8: {  	v21 =	vld [tilespmem:s19+$0x40];
	(xrf2) =	vadd.scan.msk.f32 $0xffff, v4  }
0x1f9: {  	v22 =	vld [tilespmem:s17+$0x50];
	v2 =	vadd.f32 v3, v2  }
0x1fa: {  	v23 =	vld [tilespmem:s19+$0x50]  }
0x1fb: {  	v24 =	vld [tilespmem:s17+$0x60];
	(xrf2) =	vadd.scan.msk.f32 $0xffff, v2  }
0x1fc: {  	v28 =	vld [tilespmem:s19+$0x60]  }
0x1fd: {  	v29 =	vld [tilespmem:s17+$0x70]  }
0x1fe: {  	v30 =	vld [tilespmem:s19+$0x70]  }
0x1ff: {  	v31 =	vld [tilespmem:s17+$0xFFFFFF80]  }
0x200: {  	v32 =	vld [tilespmem:s19+$0xFFFFFF80]  }
0x201: {  	v2 =	vld [tilespmem:s17+$0xFFFFFF90]  }
0x202: {  	v3 =	vld [tilespmem:s19+$0xFFFFFF90];
	v9, _, _ =	vpop (xrf2)  }
0x203: {  	v4 =	vld [tilespmem:s17+$0xFFFFFFA0]  }
0x204: {  	v6 =	vld [tilespmem:s19+$0xFFFFFFA0]  }
0x205: {  	v5 =	vld [tilespmem:s17+$0xFFFFFFB0];
	v8, _, _ =	vpop (xrf2)  }
0x206: {  	s10 =	sadd.s32 $0x1, s16;
	v10 =	vmov s16;
	s16 =	smov.u32 s18;
	v7 =	vld [tilespmem:s19+$0xFFFFFFB0];
	v11 =	vbroadcast v8, $0xF  }
0x207: {  	vm0 =	veq.s32 v10, v0;
	v10 =	vmov s10;
	v12 =	vbroadcast v9, $0xF;
	v8 =	vld [tilespmem:s17+$0xFFFFFFC0]  }
0x208: {  	v9 =	vld [tilespmem:s19+$0xFFFFFFC0];
	v1 =	vsel vm0, v11, v1;
	vm0 =	veq.s32 v10, v0  }
0x209: {  	v10 =	vld [tilespmem:s17+$0xFFFFFFD0];
	v1 =	vsel vm0, v12, v1  }
.Ltmp9:
0x20a: {  	v13 =	vmul.f32 v26, v25;
	v12 =	vld [tilespmem:s19+$0xFFFFFFD0];
	(pc) =	sbr.rel @p0 .LBB2_21-.Ltmp9, $4  }
0x20b: {  	v16 =	vmul.f32 v16, v27;
	v17 =	vmul.f32 v15, v14;
	v11 =	vld [tilespmem:s17+$0xFFFFFFE0]  }
0x20c: {  	v19 =	vmul.f32 v19, v18;
	v18 =	vmul.f32 v21, v20;
	v14 =	vld [tilespmem:s19+$0xFFFFFFE0]  }
0x20d: {  	v21 =	vmul.f32 v23, v22;
	v22 =	vmul.f32 v28, v24;
	v15 =	vld [tilespmem:s17+$0xFFFFFFF0]  }
0x20e: {  	s18 =	sadd.s32 $0x2, s18;
	v24 =	vmul.f32 v30, v29;
	v20 =	vmul.f32 v32, v31;
	s17 =	sadd.s32 $0x100, s17;
	v23 =	vld [tilespmem:s19+$0xFFFFFFF0]  }
0x20f: {  	_ = 	snop  }
0x210: {  	v2 =	vmul.f32 v3, v2;
	v3 =	vmul.f32 v6, v4  }
0x211: {  	v48 =	vmul.f32 v7, v5;
	v49 =	vmul.f32 v9, v8;
	v51 =	vadd.f32 v16, v13  }
0x212: {  	v50 =	vmul.f32 v12, v10;
	v52 =	vadd.f32 v19, v17;
	v54 =	vadd.f32 v21, v18  }
0x213: {  	v55 =	vadd.f32 v24, v22;
	v53 =	vmul.f32 v14, v11;
	v56 =	vmul.f32 v23, v15  }
0x214: {  	v2 =	vadd.f32 v2, v20;
	v3 =	vadd.f32 v48, v3  }
0x215: {  	v57 =	vadd.f32 v50, v49;
	v58 =	vadd.f32 v56, v53  }
0x216: {  	v59 =	vadd.f32 v52, v51;
	v60 =	vadd.f32 v55, v54  }
0x217: {  	v2 =	vadd.f32 v3, v2;
	v3 =	vadd.f32 v58, v57  }
0x218: {  	v61 =	vadd.f32 v60, v59  }
0x219: {  	v2 =	vadd.f32 v3, v2  }
0x21a: {  	(xrf2) =	vadd.scan.msk.f32 $0xffff, v61  }
0x21b: {  	(xrf2) =	vadd.scan.msk.f32 $0xffff, v2;
	_ =	sdelay $0x8  }
0x21c: {  	v2, _, _ =	vpop (xrf2)  }
0x21d: {  	v3, _, _ =	vpop (xrf2)  }
0x21e: {  	v62 =	vmov s16;
	s10 =	sadd.s32 $0x1, s16;
	v3 =	vbroadcast v3, $0xF  }
0x21f: {  	vm0 =	veq.s32 v62, v0;
	v63 =	vmov s10;
	v2 =	vbroadcast v2, $0xF  }
0x220: {  	vm15 =	veq.s32 v63, v0;
	v1 =	vsel vm0, v3, v1  }
0x221: {  	v1 =	vsel vm15, v2, v1  }
0x222: {  	v1 =	vsub.f32 $0.0e+00, v1;
	_ =	sdelay $0x1  }
0x223: {  	v1 =	vmul.f32 $1.442695020e+00, v1;
	_ =	sdelay $0x1  }
0x224: {  	(erf) = vpow2.f32 v1;
	_ =	sdelay $0x8  }
0x225: {  	v1 =	vpop (erf)  }
0x226: {  	v1 =	vadd.f32 $1.000000000e+00, v1;
	_ =	sdelay $0x1  }
0x227: {  	(erf) = vrcp.f32 v1;
	_ =	sdelay $0x3  }
0x228: {  	s1 =	sadd.s32 $0x1, s1  }
0x229: {  	p0 =	sne.s32 s1, $0x5  }
.Ltmp10:
0x22a: {  	_ = 	snop;
	(pc) =	sbr.rel @p0 .LBB2_20-.Ltmp10, $3  }
0x22b: {  	_ =	sdelay $0x1  }
0x22c: {  	v1 =	vpop (erf)  }
0x22d: {  	s3 =	sadd.s32 $0x800, s3;
	s14 =	sadd.s32 $0x800, s14;
	[tilespmem:s15+$0x1B5C0] =	vst v1  }
0x22e: {  	s29 =	sadd.s32 $0x1, s29  }
0x22f: {  	p0 =	sne.s32 s29, s8  }
.Ltmp11:
0x230: {  	s1 =	simm.s32 $0x18F00;
	(pc) =	sbr.rel @p0 .LBB2_1-.Ltmp11, $4  }
0x231: {  	[hbm4b:s7+s4] =	stream.linear.scatter [tilespmem:s1], [sflag:$0x5], $0x2710, $0x38;
	[tilespmem:$0x1B680] =	vst v63  }
0x232: {  	_ =	swait.ge [sflag:s9], $0x2710  }
0x233: {  	[sflag:s9] =	ssyncset.done $0x0  }
0x234: {  	[sflag:s9] =	ssyncadd.s32 $0xFFFFD8F0  }
0x235: {  	_ =	sfence.sel $0x180000  }
0x236: {  	[bflag:$0x0] =	sbarrier.arrive $0xFFFF  }
0x237: {  	_ =	strace $0x90000047  }
0x238: {  	s0 =	stileid.u32;
	[bflag:$0x2] =	sbarrier.arrive $0xFFFF  }
0x239: {  	p0 =	sne.s32 s0, $0x0;
	s0 =	rddreg [dreg:$0x5]  }
0x23a: {  	s0 =	sadd.s32 @!p0 $0x100000, s0  }
0x23b: {  	[sflag:s0] =	ssyncadd.tile.s32 @!p0 $0x1;
	_ =	shalt  }
.Lfunc_end2:
_tile_overlayer_lowered:
.L_overlay_start_2:
0x23c: {  	(tag) =	ssettag $0x2  }
0x23d: {  	s0 =	rddreg [dreg:$0x0];
	s2 =	stileid.u32  }
0x23e: {  	s1 =	rddreg [dreg:$0x1];
	p0 =	sne.s32 s2, $0x0  }
0x23f: {  	s3 =	rddreg [dreg:$0x2];
	[bflag:$0x3] =	sbarrier.arrive $0xFFFF;
	s2 =	simm.s32 @!p0 $0x1C05  }
0x240: {  	[timem:s3], [sflag:s2] =	dma.local @!p0 [hbm:s0], s1  }
0x241: {  	s0 =	simm.s32 @!p0 $0x5  }
0x242: {  	_ =	swait.ge @!p0 [sflag:s0], s1  }
0x243: {  	s1 =	ssub.s32 @!p0 $0x0, s1;
	[sflag:s0] =	ssyncset.done @!p0 $0x0  }
0x244: {  	[sflag:s0] =	ssyncadd.s32 @!p0 s1  }
0x245: {  	[bflag:$0x3] =	sbarrier.arrive $0xFFFF  }
0x246: {  	_ =	shalt  }

</sc_bundles>
